<compile_context>
chip_gen: v7x
topology: tpu7x:2x2x1
jax: 0.10.2.dev20260603
libtpu: 0.0.44.dev20260713+nightly
codegen_flags: <defaults>
</compile_context>

<pallas_src>
import functools

import jax
import jax.numpy as jnp
from jax import lax
from jax.experimental import pallas as pl
from jax.experimental.pallas import tpu as pltpu
from jax.experimental.pallas import tpu_sc as plsc

NUM_SEGMENTS = 10000
D = 128
E = 320000
NC = 2
NS = 16
NW = NC * NS
EPW = E // NW
CHUNK = 40
NCHUNK = EPW // CHUNK
NBUF = 8
LOOKAHEAD = 6
ROWS_MAIN = 624
ROWS_LAST_AT = ROWS_MAIN * (NS - 1)
ROWS_LAST = NUM_SEGMENTS - ROWS_LAST_AT
ZB_ROWS = 48


def _sc_body(x_hbm, idx_hbm, out_hbm,
             xbufs, ibufs, zbuf, xsems, isems, ssems, shared):
  c = lax.axis_index("c")
  s = lax.axis_index("s")
  wid = s * NC + c
  base = wid * EPW

  def start_load(k, b):
    pltpu.async_copy(x_hbm.at[pl.ds(base + k * CHUNK, CHUNK)], xbufs[b],
                     xsems[b])
    pltpu.async_copy(idx_hbm.at[pl.ds(base + k * CHUNK, CHUNK)], ibufs[b],
                     isems[b])

  def wait_load(k, b):
    pltpu.make_async_copy(x_hbm.at[pl.ds(base + k * CHUNK, CHUNK)], xbufs[b],
                          xsems[b]).wait()
    pltpu.make_async_copy(idx_hbm.at[pl.ds(base + k * CHUNK, CHUNK)],
                          ibufs[b], isems[b]).wait()

  def start_scatter(b):
    pltpu.async_copy(xbufs[b], shared.at[ibufs[b]], ssems[b], add=True)

  def wait_scatter(b):
    pltpu.make_async_copy(xbufs[b], shared.at[ibufs[b]],
                          ssems[b]).wait()

  for b in range(LOOKAHEAD):
    start_load(b, b)

  zrow = s * ROWS_MAIN
  zv = jnp.zeros((16,), jnp.float32)

  @functools.partial(lax.fori_loop, 0, ZB_ROWS, init_val=None)
  def _(r, _):
    for g in range(D // 16):
      zbuf[r, pl.ds(g * 16, 16)] = zv

  @functools.partial(lax.fori_loop, 0, ROWS_MAIN // ZB_ROWS, init_val=None)
  def _(t, _):
    pltpu.sync_copy(zbuf, shared.at[pl.ds(zrow + t * ZB_ROWS, ZB_ROWS)])

  @pl.when(s == NS - 1)
  def _():
    pltpu.sync_copy(zbuf.at[pl.ds(0, ROWS_LAST - ROWS_MAIN)],
                    shared.at[pl.ds(ROWS_LAST_AT + ROWS_MAIN,
                                    ROWS_LAST - ROWS_MAIN)])

  plsc.subcore_barrier()

  def step(k, b):
    b2 = (b + LOOKAHEAD) % NBUF

    @pl.when(k + LOOKAHEAD < NCHUNK)
    def _():
      @pl.when(k + LOOKAHEAD >= NBUF)
      def _():
        wait_scatter(b2)

      start_load(k + LOOKAHEAD, b2)

    wait_load(k, b)
    start_scatter(b)

  @functools.partial(lax.fori_loop, 0, NCHUNK // NBUF, init_val=None)
  def _(k4, _):
    for b in range(NBUF):
      step(k4 * NBUF + b, b)

  for k in range(NCHUNK - NCHUNK % NBUF, NCHUNK):
    step(k, k % NBUF)

  for b in range(NBUF):
    wait_scatter(b)

  plsc.subcore_barrier()

  @pl.when(s < NS - 1)
  def _():
    pltpu.sync_copy(shared.at[pl.ds(zrow, ROWS_MAIN)],
                    out_hbm.at[c, pl.ds(zrow, ROWS_MAIN)])

  @pl.when(s == NS - 1)
  def _():
    pltpu.sync_copy(shared.at[pl.ds(ROWS_LAST_AT, ROWS_LAST)],
                    out_hbm.at[c, pl.ds(ROWS_LAST_AT, ROWS_LAST)])


def _combine_body(p_ref, o_ref):
  o_ref[...] = p_ref[0] + p_ref[1]


def kernel(x, node_idx):
  mesh = plsc.VectorSubcoreMesh(core_axis_name="c", subcore_axis_name="s")
  partial = pl.kernel(
      _sc_body,
      out_type=jax.ShapeDtypeStruct((NC, NUM_SEGMENTS, D), x.dtype),
      mesh=mesh,
      scratch_types=[
          tuple(pltpu.VMEM((CHUNK, D), jnp.float32) for _ in range(NBUF)),
          tuple(pltpu.VMEM((CHUNK,), jnp.int32) for _ in range(NBUF)),
          pltpu.VMEM((ZB_ROWS, D), jnp.float32),
          tuple(pltpu.SemaphoreType.DMA for _ in range(NBUF)),
          tuple(pltpu.SemaphoreType.DMA for _ in range(NBUF)),
          tuple(pltpu.SemaphoreType.DMA for _ in range(NBUF)),
          pltpu.VMEM_SHARED((NUM_SEGMENTS, D), jnp.float32),
      ],
  )(x, node_idx)

  out = pl.pallas_call(
      _combine_body,
      out_shape=jax.ShapeDtypeStruct((NUM_SEGMENTS, D), x.dtype),
  )(partial)
  return out

# --- scband reference (transcript-rebuilt; emitter-appended) ---
"""Pipeline reference for scband-gnnsum-aggregator-24232205484416 (READ-ONLY COPY).

The authoritative reference and input builder live on the scoring server;
editing this copy changes nothing except your own understanding.
"""

import jax, jax.numpy as jnp
import numpy as np


def setup_inputs(seed: int = 0) -> dict:
    key = jax.random.key(seed)
    k1, k2 = jax.random.split(key)
    x = jax.random.normal(k1, (320000, 128), dtype=jnp.float32)
    node_idx = jnp.sort(jax.random.randint(k2, (320000,), 0, 10000, dtype=jnp.int32))
    # pin the max segment id so output shape is deterministic (= 10000 rows)
    node_idx = node_idx.at[-1].set(10000 - 1)
    return {"x": x, "node_idx": node_idx}


def reference(x, node_idx):
    # Faithful translation of:
    #   idx = node_idx.unsqueeze(1).repeat(1, x.size(1))
    #   out = zeros(max(idx)+1, x.size(1)).scatter_add_(0, idx, x)
    num_segments = 10000
    out = jnp.zeros((num_segments, x.shape[1]), dtype=x.dtype)
    out = out.at[node_idx].add(x)
    return out

if __name__ == "__main__":
    import jax
    _d = setup_inputs()
    print(jax.jit(kernel)(*tuple(_d.values())))

</pallas_src>

<mosaic_0001>
#map = affine_map<(d0, d1) -> (0, 0)>
#map1 = affine_map<(d0, d1) -> (0)>
#map2 = affine_map<(d0, d1) -> (0, 0, 0)>
module attributes {stable_mosaic.version = 14 : i64} {
  func.func @_sc_body(%arg0: i32, %arg1: i32, %arg2: memref<320000x128xf32, #tpu.memory_space<hbm>>, %arg3: memref<320000xi32, #tpu.memory_space<hbm>>, %arg4: memref<2x10000x128xf32, #tpu.memory_space<hbm>>, %arg5: memref<40x128xf32, #tpu.memory_space<vmem>>, %arg6: memref<40x128xf32, #tpu.memory_space<vmem>>, %arg7: memref<40x128xf32, #tpu.memory_space<vmem>>, %arg8: memref<40x128xf32, #tpu.memory_space<vmem>>, %arg9: memref<40x128xf32, #tpu.memory_space<vmem>>, %arg10: memref<40x128xf32, #tpu.memory_space<vmem>>, %arg11: memref<40x128xf32, #tpu.memory_space<vmem>>, %arg12: memref<40x128xf32, #tpu.memory_space<vmem>>, %arg13: memref<40xi32, #tpu.memory_space<vmem>>, %arg14: memref<40xi32, #tpu.memory_space<vmem>>, %arg15: memref<40xi32, #tpu.memory_space<vmem>>, %arg16: memref<40xi32, #tpu.memory_space<vmem>>, %arg17: memref<40xi32, #tpu.memory_space<vmem>>, %arg18: memref<40xi32, #tpu.memory_space<vmem>>, %arg19: memref<40xi32, #tpu.memory_space<vmem>>, %arg20: memref<40xi32, #tpu.memory_space<vmem>>, %arg21: memref<48x128xf32, #tpu.memory_space<vmem>>, %arg22: memref<!tpu.dma_semaphore, #tpu.memory_space<semaphore_mem>>, %arg23: memref<!tpu.dma_semaphore, #tpu.memory_space<semaphore_mem>>, %arg24: memref<!tpu.dma_semaphore, #tpu.memory_space<semaphore_mem>>, %arg25: memref<!tpu.dma_semaphore, #tpu.memory_space<semaphore_mem>>, %arg26: memref<!tpu.dma_semaphore, #tpu.memory_space<semaphore_mem>>, %arg27: memref<!tpu.dma_semaphore, #tpu.memory_space<semaphore_mem>>, %arg28: memref<!tpu.dma_semaphore, #tpu.memory_space<semaphore_mem>>, %arg29: memref<!tpu.dma_semaphore, #tpu.memory_space<semaphore_mem>>, %arg30: memref<!tpu.dma_semaphore, #tpu.memory_space<semaphore_mem>>, %arg31: memref<!tpu.dma_semaphore, #tpu.memory_space<semaphore_mem>>, %arg32: memref<!tpu.dma_semaphore, #tpu.memory_space<semaphore_mem>>, %arg33: memref<!tpu.dma_semaphore, #tpu.memory_space<semaphore_mem>>, %arg34: memref<!tpu.dma_semaphore, #tpu.memory_space<semaphore_mem>>, %arg35: memref<!tpu.dma_semaphore, #tpu.memory_space<semaphore_mem>>, %arg36: memref<!tpu.dma_semaphore, #tpu.memory_space<semaphore_mem>>, %arg37: memref<!tpu.dma_semaphore, #tpu.memory_space<semaphore_mem>>, %arg38: memref<!tpu.dma_semaphore, #tpu.memory_space<semaphore_mem>>, %arg39: memref<!tpu.dma_semaphore, #tpu.memory_space<semaphore_mem>>, %arg40: memref<!tpu.dma_semaphore, #tpu.memory_space<semaphore_mem>>, %arg41: memref<!tpu.dma_semaphore, #tpu.memory_space<semaphore_mem>>, %arg42: memref<!tpu.dma_semaphore, #tpu.memory_space<semaphore_mem>>, %arg43: memref<!tpu.dma_semaphore, #tpu.memory_space<semaphore_mem>>, %arg44: memref<!tpu.dma_semaphore, #tpu.memory_space<semaphore_mem>>, %arg45: memref<!tpu.dma_semaphore, #tpu.memory_space<semaphore_mem>>, %arg46: memref<10000x128xf32, #tpu.memory_space<vmem_shared>>) attributes {dimension_semantics = [#tpu.dimension_semantics<core_parallel>, #tpu.dimension_semantics<subcore_parallel>], iteration_bounds = array<i64: 2, 16>, scalar_prefetch = 0 : i64, scratch_operands = 42 : i64, tpu.core_type = #tpu.core_type<sc_vector_subcore>, window_params = [{transform_indices = #map}, {transform_indices = #map1}, {transform_indices = #map2}]} {
    %mul3A = arith.constant 2 : i32
    %mul3A_0 = arith.muli %arg1, %mul3A : i32
    %add3A = arith.addi %mul3A_0, %arg0 : i32
    %mul3A_1 = arith.constant 10000 : i32
    %mul3A_2 = arith.muli %add3A, %mul3A_1 : i32
    %add3A_3 = arith.constant 0 : i32
    %add3A_4 = arith.addi %mul3A_2, %add3A_3 : i32
    %dma_start3A = arith.constant 0 : i32
    %dma_start3A_5 = tpu.memref_slice %arg2[%add3A_4, %dma_start3A] : memref<320000x128xf32, #tpu.memory_space<hbm>> -> memref<40x128xf32, #tpu.memory_space<hbm>>
    %dma_start3A_6 = arith.constant 0 : i32
    %dma_start3A_7 = tpu.memref_slice %arg2[%add3A_4, %dma_start3A_6] : memref<320000x128xf32, #tpu.memory_space<hbm>> -> memref<40x128xf32, #tpu.memory_space<hbm>>
    tpu.enqueue_dma source(%dma_start3A_7 : memref<40x128xf32, #tpu.memory_space<hbm>>) target(%arg5 : memref<40x128xf32, #tpu.memory_space<vmem>>) target_semaphore(%arg22 : memref<!tpu.dma_semaphore, #tpu.memory_space<semaphore_mem>>)
    %add3A_8 = arith.constant 0 : i32
    %add3A_9 = arith.addi %mul3A_2, %add3A_8 : i32
    %dma_start3A_10 = tpu.memref_slice %arg3[%add3A_9] : memref<320000xi32, #tpu.memory_space<hbm>> -> memref<40xi32, #tpu.memory_space<hbm>>
    %dma_start3A_11 = tpu.memref_slice %arg3[%add3A_9] : memref<320000xi32, #tpu.memory_space<hbm>> -> memref<40xi32, #tpu.memory_space<hbm>>
    tpu.enqueue_dma source(%dma_start3A_11 : memref<40xi32, #tpu.memory_space<hbm>>) target(%arg13 : memref<40xi32, #tpu.memory_space<vmem>>) target_semaphore(%arg30 : memref<!tpu.dma_semaphore, #tpu.memory_space<semaphore_mem>>)
    %add3A_12 = arith.constant 40 : i32
    %add3A_13 = arith.addi %mul3A_2, %add3A_12 : i32
    %dma_start3A_14 = arith.constant 0 : i32
    %dma_start3A_15 = tpu.memref_slice %arg2[%add3A_13, %dma_start3A_14] : memref<320000x128xf32, #tpu.memory_space<hbm>> -> memref<40x128xf32, #tpu.memory_space<hbm>>
    %dma_start3A_16 = arith.constant 0 : i32
    %dma_start3A_17 = tpu.memref_slice %arg2[%add3A_13, %dma_start3A_16] : memref<320000x128xf32, #tpu.memory_space<hbm>> -> memref<40x128xf32, #tpu.memory_space<hbm>>
    tpu.enqueue_dma source(%dma_start3A_17 : memref<40x128xf32, #tpu.memory_space<hbm>>) target(%arg6 : memref<40x128xf32, #tpu.memory_space<vmem>>) target_semaphore(%arg23 : memref<!tpu.dma_semaphore, #tpu.memory_space<semaphore_mem>>)
    %add3A_18 = arith.constant 40 : i32
    %add3A_19 = arith.addi %mul3A_2, %add3A_18 : i32
    %dma_start3A_20 = tpu.memref_slice %arg3[%add3A_19] : memref<320000xi32, #tpu.memory_space<hbm>> -> memref<40xi32, #tpu.memory_space<hbm>>
    %dma_start3A_21 = tpu.memref_slice %arg3[%add3A_19] : memref<320000xi32, #tpu.memory_space<hbm>> -> memref<40xi32, #tpu.memory_space<hbm>>
    tpu.enqueue_dma source(%dma_start3A_21 : memref<40xi32, #tpu.memory_space<hbm>>) target(%arg14 : memref<40xi32, #tpu.memory_space<vmem>>) target_semaphore(%arg31 : memref<!tpu.dma_semaphore, #tpu.memory_space<semaphore_mem>>)
    %add3A_22 = arith.constant 80 : i32
    %add3A_23 = arith.addi %mul3A_2, %add3A_22 : i32
    %dma_start3A_24 = arith.constant 0 : i32
    %dma_start3A_25 = tpu.memref_slice %arg2[%add3A_23, %dma_start3A_24] : memref<320000x128xf32, #tpu.memory_space<hbm>> -> memref<40x128xf32, #tpu.memory_space<hbm>>
    %dma_start3A_26 = arith.constant 0 : i32
    %dma_start3A_27 = tpu.memref_slice %arg2[%add3A_23, %dma_start3A_26] : memref<320000x128xf32, #tpu.memory_space<hbm>> -> memref<40x128xf32, #tpu.memory_space<hbm>>
    tpu.enqueue_dma source(%dma_start3A_27 : memref<40x128xf32, #tpu.memory_space<hbm>>) target(%arg7 : memref<40x128xf32, #tpu.memory_space<vmem>>) target_semaphore(%arg24 : memref<!tpu.dma_semaphore, #tpu.memory_space<semaphore_mem>>)
    %add3A_28 = arith.constant 80 : i32
    %add3A_29 = arith.addi %mul3A_2, %add3A_28 : i32
    %dma_start3A_30 = tpu.memref_slice %arg3[%add3A_29] : memref<320000xi32, #tpu.memory_space<hbm>> -> memref<40xi32, #tpu.memory_space<hbm>>
    %dma_start3A_31 = tpu.memref_slice %arg3[%add3A_29] : memref<320000xi32, #tpu.memory_space<hbm>> -> memref<40xi32, #tpu.memory_space<hbm>>
    tpu.enqueue_dma source(%dma_start3A_31 : memref<40xi32, #tpu.memory_space<hbm>>) target(%arg15 : memref<40xi32, #tpu.memory_space<vmem>>) target_semaphore(%arg32 : memref<!tpu.dma_semaphore, #tpu.memory_space<semaphore_mem>>)
    %add3A_32 = arith.constant 120 : i32
    %add3A_33 = arith.addi %mul3A_2, %add3A_32 : i32
    %dma_start3A_34 = arith.constant 0 : i32
    %dma_start3A_35 = tpu.memref_slice %arg2[%add3A_33, %dma_start3A_34] : memref<320000x128xf32, #tpu.memory_space<hbm>> -> memref<40x128xf32, #tpu.memory_space<hbm>>
    %dma_start3A_36 = arith.constant 0 : i32
    %dma_start3A_37 = tpu.memref_slice %arg2[%add3A_33, %dma_start3A_36] : memref<320000x128xf32, #tpu.memory_space<hbm>> -> memref<40x128xf32, #tpu.memory_space<hbm>>
    tpu.enqueue_dma source(%dma_start3A_37 : memref<40x128xf32, #tpu.memory_space<hbm>>) target(%arg8 : memref<40x128xf32, #tpu.memory_space<vmem>>) target_semaphore(%arg25 : memref<!tpu.dma_semaphore, #tpu.memory_space<semaphore_mem>>)
    %add3A_38 = arith.constant 120 : i32
    %add3A_39 = arith.addi %mul3A_2, %add3A_38 : i32
    %dma_start3A_40 = tpu.memref_slice %arg3[%add3A_39] : memref<320000xi32, #tpu.memory_space<hbm>> -> memref<40xi32, #tpu.memory_space<hbm>>
    %dma_start3A_41 = tpu.memref_slice %arg3[%add3A_39] : memref<320000xi32, #tpu.memory_space<hbm>> -> memref<40xi32, #tpu.memory_space<hbm>>
    tpu.enqueue_dma source(%dma_start3A_41 : memref<40xi32, #tpu.memory_space<hbm>>) target(%arg16 : memref<40xi32, #tpu.memory_space<vmem>>) target_semaphore(%arg33 : memref<!tpu.dma_semaphore, #tpu.memory_space<semaphore_mem>>)
    %add3A_42 = arith.constant 160 : i32
    %add3A_43 = arith.addi %mul3A_2, %add3A_42 : i32
    %dma_start3A_44 = arith.constant 0 : i32
    %dma_start3A_45 = tpu.memref_slice %arg2[%add3A_43, %dma_start3A_44] : memref<320000x128xf32, #tpu.memory_space<hbm>> -> memref<40x128xf32, #tpu.memory_space<hbm>>
    %dma_start3A_46 = arith.constant 0 : i32
    %dma_start3A_47 = tpu.memref_slice %arg2[%add3A_43, %dma_start3A_46] : memref<320000x128xf32, #tpu.memory_space<hbm>> -> memref<40x128xf32, #tpu.memory_space<hbm>>
    tpu.enqueue_dma source(%dma_start3A_47 : memref<40x128xf32, #tpu.memory_space<hbm>>) target(%arg9 : memref<40x128xf32, #tpu.memory_space<vmem>>) target_semaphore(%arg26 : memref<!tpu.dma_semaphore, #tpu.memory_space<semaphore_mem>>)
    %add3A_48 = arith.constant 160 : i32
    %add3A_49 = arith.addi %mul3A_2, %add3A_48 : i32
    %dma_start3A_50 = tpu.memref_slice %arg3[%add3A_49] : memref<320000xi32, #tpu.memory_space<hbm>> -> memref<40xi32, #tpu.memory_space<hbm>>
    %dma_start3A_51 = tpu.memref_slice %arg3[%add3A_49] : memref<320000xi32, #tpu.memory_space<hbm>> -> memref<40xi32, #tpu.memory_space<hbm>>
    tpu.enqueue_dma source(%dma_start3A_51 : memref<40xi32, #tpu.memory_space<hbm>>) target(%arg17 : memref<40xi32, #tpu.memory_space<vmem>>) target_semaphore(%arg34 : memref<!tpu.dma_semaphore, #tpu.memory_space<semaphore_mem>>)
    %add3A_52 = arith.constant 200 : i32
    %add3A_53 = arith.addi %mul3A_2, %add3A_52 : i32
    %dma_start3A_54 = arith.constant 0 : i32
    %dma_start3A_55 = tpu.memref_slice %arg2[%add3A_53, %dma_start3A_54] : memref<320000x128xf32, #tpu.memory_space<hbm>> -> memref<40x128xf32, #tpu.memory_space<hbm>>
    %dma_start3A_56 = arith.constant 0 : i32
    %dma_start3A_57 = tpu.memref_slice %arg2[%add3A_53, %dma_start3A_56] : memref<320000x128xf32, #tpu.memory_space<hbm>> -> memref<40x128xf32, #tpu.memory_space<hbm>>
    tpu.enqueue_dma source(%dma_start3A_57 : memref<40x128xf32, #tpu.memory_space<hbm>>) target(%arg10 : memref<40x128xf32, #tpu.memory_space<vmem>>) target_semaphore(%arg27 : memref<!tpu.dma_semaphore, #tpu.memory_space<semaphore_mem>>)
    %add3A_58 = arith.constant 200 : i32
    %add3A_59 = arith.addi %mul3A_2, %add3A_58 : i32
    %dma_start3A_60 = tpu.memref_slice %arg3[%add3A_59] : memref<320000xi32, #tpu.memory_space<hbm>> -> memref<40xi32, #tpu.memory_space<hbm>>
    %dma_start3A_61 = tpu.memref_slice %arg3[%add3A_59] : memref<320000xi32, #tpu.memory_space<hbm>> -> memref<40xi32, #tpu.memory_space<hbm>>
    tpu.enqueue_dma source(%dma_start3A_61 : memref<40xi32, #tpu.memory_space<hbm>>) target(%arg18 : memref<40xi32, #tpu.memory_space<vmem>>) target_semaphore(%arg35 : memref<!tpu.dma_semaphore, #tpu.memory_space<semaphore_mem>>)
    %mul3A_62 = arith.constant 624 : i32
    %mul3A_63 = arith.muli %arg1, %mul3A_62 : i32
    %broadcast_in_dim3A = arith.constant 0.000000e+00 : f32
    %broadcast_in_dim3A_64 = vector.broadcast %broadcast_in_dim3A : f32 to vector<16xf32>
    %scan3A = arith.constant 0 : i32
    %scan3A_65 = arith.constant 48 : i32
    %scan3A_66 = arith.addi %scan3A, %scan3A_65 : i32
    %scan3A_67 = arith.constant 1 : i32
    scf.for %scan3A_140 = %scan3A to %scan3A_66 step %scan3A_67  : i32 {
      %swap3A = arith.index_cast %scan3A_140 : i32 to index
      %swap3A_141 = arith.constant 0 : index
      %swap3A_142 = tpu.vector_load %arg21[%swap3A, %swap3A_141] {strides = array<i32>} : memref<48x128xf32, #tpu.memory_space<vmem>>, vector<1x16xf32>,
      %swap3A_143 = vector.shape_cast %swap3A_142 : vector<1x16xf32> to vector<16xf32>
      %swap3A_144 = vector.shape_cast %broadcast_in_dim3A_64 : vector<16xf32> to vector<1x16xf32>
      tpu.vector_store %arg21[%swap3A, %swap3A_141], %swap3A_144 {strides = array<i32>} : memref<48x128xf32, #tpu.memory_space<vmem>>, vector<1x16xf32>,
      %swap3A_145 = arith.index_cast %scan3A_140 : i32 to index
      %swap3A_146 = arith.constant 16 : index
      %swap3A_147 = tpu.vector_load %arg21[%swap3A_145, %swap3A_146] {strides = array<i32>} : memref<48x128xf32, #tpu.memory_space<vmem>>, vector<1x16xf32>,
      %swap3A_148 = vector.shape_cast %swap3A_147 : vector<1x16xf32> to vector<16xf32>
      %swap3A_149 = vector.shape_cast %broadcast_in_dim3A_64 : vector<16xf32> to vector<1x16xf32>
      tpu.vector_store %arg21[%swap3A_145, %swap3A_146], %swap3A_149 {strides = array<i32>} : memref<48x128xf32, #tpu.memory_space<vmem>>, vector<1x16xf32>,
      %swap3A_150 = arith.index_cast %scan3A_140 : i32 to index
      %swap3A_151 = arith.constant 32 : index
      %swap3A_152 = tpu.vector_load %arg21[%swap3A_150, %swap3A_151] {strides = array<i32>} : memref<48x128xf32, #tpu.memory_space<vmem>>, vector<1x16xf32>,
      %swap3A_153 = vector.shape_cast %swap3A_152 : vector<1x16xf32> to vector<16xf32>
      %swap3A_154 = vector.shape_cast %broadcast_in_dim3A_64 : vector<16xf32> to vector<1x16xf32>
      tpu.vector_store %arg21[%swap3A_150, %swap3A_151], %swap3A_154 {strides = array<i32>} : memref<48x128xf32, #tpu.memory_space<vmem>>, vector<1x16xf32>,
      %swap3A_155 = arith.index_cast %scan3A_140 : i32 to index
      %swap3A_156 = arith.constant 48 : index
      %swap3A_157 = tpu.vector_load %arg21[%swap3A_155, %swap3A_156] {strides = array<i32>} : memref<48x128xf32, #tpu.memory_space<vmem>>, vector<1x16xf32>,
      %swap3A_158 = vector.shape_cast %swap3A_157 : vector<1x16xf32> to vector<16xf32>
      %swap3A_159 = vector.shape_cast %broadcast_in_dim3A_64 : vector<16xf32> to vector<1x16xf32>
      tpu.vector_store %arg21[%swap3A_155, %swap3A_156], %swap3A_159 {strides = array<i32>} : memref<48x128xf32, #tpu.memory_space<vmem>>, vector<1x16xf32>,
      %swap3A_160 = arith.index_cast %scan3A_140 : i32 to index
      %swap3A_161 = arith.constant 64 : index
      %swap3A_162 = tpu.vector_load %arg21[%swap3A_160, %swap3A_161] {strides = array<i32>} : memref<48x128xf32, #tpu.memory_space<vmem>>, vector<1x16xf32>,
      %swap3A_163 = vector.shape_cast %swap3A_162 : vector<1x16xf32> to vector<16xf32>
      %swap3A_164 = vector.shape_cast %broadcast_in_dim3A_64 : vector<16xf32> to vector<1x16xf32>
      tpu.vector_store %arg21[%swap3A_160, %swap3A_161], %swap3A_164 {strides = array<i32>} : memref<48x128xf32, #tpu.memory_space<vmem>>, vector<1x16xf32>,
      %swap3A_165 = arith.index_cast %scan3A_140 : i32 to index
      %swap3A_166 = arith.constant 80 : index
      %swap3A_167 = tpu.vector_load %arg21[%swap3A_165, %swap3A_166] {strides = array<i32>} : memref<48x128xf32, #tpu.memory_space<vmem>>, vector<1x16xf32>,
      %swap3A_168 = vector.shape_cast %swap3A_167 : vector<1x16xf32> to vector<16xf32>
      %swap3A_169 = vector.shape_cast %broadcast_in_dim3A_64 : vector<16xf32> to vector<1x16xf32>
      tpu.vector_store %arg21[%swap3A_165, %swap3A_166], %swap3A_169 {strides = array<i32>} : memref<48x128xf32, #tpu.memory_space<vmem>>, vector<1x16xf32>,
      %swap3A_170 = arith.index_cast %scan3A_140 : i32 to index
      %swap3A_171 = arith.constant 96 : index
      %swap3A_172 = tpu.vector_load %arg21[%swap3A_170, %swap3A_171] {strides = array<i32>} : memref<48x128xf32, #tpu.memory_space<vmem>>, vector<1x16xf32>,
      %swap3A_173 = vector.shape_cast %swap3A_172 : vector<1x16xf32> to vector<16xf32>
      %swap3A_174 = vector.shape_cast %broadcast_in_dim3A_64 : vector<16xf32> to vector<1x16xf32>
      tpu.vector_store %arg21[%swap3A_170, %swap3A_171], %swap3A_174 {strides = array<i32>} : memref<48x128xf32, #tpu.memory_space<vmem>>, vector<1x16xf32>,
      %swap3A_175 = arith.index_cast %scan3A_140 : i32 to index
      %swap3A_176 = arith.constant 112 : index
      %swap3A_177 = tpu.vector_load %arg21[%swap3A_175, %swap3A_176] {strides = array<i32>} : memref<48x128xf32, #tpu.memory_space<vmem>>, vector<1x16xf32>,
      %swap3A_178 = vector.shape_cast %swap3A_177 : vector<1x16xf32> to vector<16xf32>
      %swap3A_179 = vector.shape_cast %broadcast_in_dim3A_64 : vector<16xf32> to vector<1x16xf32>
      tpu.vector_store %arg21[%swap3A_175, %swap3A_176], %swap3A_179 {strides = array<i32>} : memref<48x128xf32, #tpu.memory_space<vmem>>, vector<1x16xf32>,
    }
    %scan3A_68 = arith.constant 48 : i32
    %scan3A_69 = arith.constant 0 : i32
    %scan3A_70 = arith.constant 13 : i32
    %scan3A_71 = arith.addi %scan3A_69, %scan3A_70 : i32
    %scan3A_72 = arith.constant 1 : i32
    scf.for %scan3A_140 = %scan3A_69 to %scan3A_71 step %scan3A_72  : i32 {
      %mul3A_141 = arith.constant 48 : i32
      %mul3A_142 = arith.muli %scan3A_140, %mul3A_141 : i32
      %add3A_143 = arith.addi %mul3A_63, %mul3A_142 : i32
      "tpu.region"() ({
        %run_scoped3A = tpu.sem_alloc : memref<!tpu.dma_semaphore, #tpu.memory_space<semaphore_mem>>
        %dma_start3A_144 = arith.constant 0 : i32
        %dma_start3A_145 = tpu.memref_slice %arg46[%add3A_143, %dma_start3A_144] : memref<10000x128xf32, #tpu.memory_space<vmem_shared>> -> memref<48x128xf32, #tpu.memory_space<vmem_shared>>
        %dma_start3A_146 = arith.constant 0 : i32
        %dma_start3A_147 = tpu.memref_slice %arg46[%add3A_143, %dma_start3A_146] : memref<10000x128xf32, #tpu.memory_space<vmem_shared>> -> memref<48x128xf32, #tpu.memory_space<vmem_shared>>
        tpu.enqueue_dma source(%arg21 : memref<48x128xf32, #tpu.memory_space<vmem>>) target(%dma_start3A_147 : memref<48x128xf32, #tpu.memory_space<vmem_shared>>) target_semaphore(%run_scoped3A : memref<!tpu.dma_semaphore, #tpu.memory_space<semaphore_mem>>)
        %dma_wait3A_148 = arith.constant 0 : i32
        %dma_wait3A_149 = tpu.memref_slice %arg46[%add3A_143, %dma_wait3A_148] : memref<10000x128xf32, #tpu.memory_space<vmem_shared>> -> memref<48x128xf32, #tpu.memory_space<vmem_shared>>
        %dma_wait3A_150 = arith.constant 0 : i32
        %dma_wait3A_151 = tpu.memref_slice %arg46[%add3A_143, %dma_wait3A_150] : memref<10000x128xf32, #tpu.memory_space<vmem_shared>> -> memref<48x128xf32, #tpu.memory_space<vmem_shared>>
        tpu.wait_dma2 semaphore(%run_scoped3A : memref<!tpu.dma_semaphore, #tpu.memory_space<semaphore_mem>>) src(%arg21 : memref<48x128xf32, #tpu.memory_space<vmem>>) dst(%dma_wait3A_151 : memref<48x128xf32, #tpu.memory_space<vmem_shared>>)
        tpu.yield
      }) : () -> ()
    }
    %scan3A_73 = arith.constant 13 : i32
    %eq3A = arith.constant 15 : i32
    %eq3A_74 = arith.cmpi eq, %arg1, %eq3A : i32
    %convert_element_type3A = arith.extui %eq3A_74 : i1 to i32
    %cond3A = arith.constant 0 : i32
    %cond3A_75 = arith.cmpi ne, %convert_element_type3A, %cond3A : i32
    scf.if %cond3A_75 {
      "tpu.region"() ({
        %run_scoped3A = tpu.sem_alloc : memref<!tpu.dma_semaphore, #tpu.memory_space<semaphore_mem>>
        %dma_start3A_140 = arith.constant 0 : i32
        %dma_start3A_141 = arith.constant 0 : i32
        %dma_start3A_142 = tpu.memref_slice %arg21[%dma_start3A_140, %dma_start3A_141] : memref<48x128xf32, #tpu.memory_space<vmem>> -> memref<16x128xf32, #tpu.memory_space<vmem>>
        %dma_start3A_143 = arith.constant 9984 : i32
        %dma_start3A_144 = arith.constant 0 : i32
        %dma_start3A_145 = tpu.memref_slice %arg46[%dma_start3A_143, %dma_start3A_144] : memref<10000x128xf32, #tpu.memory_space<vmem_shared>> -> memref<16x128xf32, #tpu.memory_space<vmem_shared>>
        %dma_start3A_146 = arith.constant 9984 : i32
        %dma_start3A_147 = arith.constant 0 : i32
        %dma_start3A_148 = tpu.memref_slice %arg46[%dma_start3A_146, %dma_start3A_147] : memref<10000x128xf32, #tpu.memory_space<vmem_shared>> -> memref<16x128xf32, #tpu.memory_space<vmem_shared>>
        %dma_start3A_149 = arith.constant 0 : i32
        %dma_start3A_150 = arith.constant 0 : i32
        %dma_start3A_151 = tpu.memref_slice %arg21[%dma_start3A_149, %dma_start3A_150] : memref<48x128xf32, #tpu.memory_space<vmem>> -> memref<16x128xf32, #tpu.memory_space<vmem>>
        tpu.enqueue_dma source(%dma_start3A_151 : memref<16x128xf32, #tpu.memory_space<vmem>>) target(%dma_start3A_148 : memref<16x128xf32, #tpu.memory_space<vmem_shared>>) target_semaphore(%run_scoped3A : memref<!tpu.dma_semaphore, #tpu.memory_space<semaphore_mem>>)
        %dma_wait3A_152 = arith.constant 0 : i32
        %dma_wait3A_153 = arith.constant 0 : i32
        %dma_wait3A_154 = tpu.memref_slice %arg21[%dma_wait3A_152, %dma_wait3A_153] : memref<48x128xf32, #tpu.memory_space<vmem>> -> memref<16x128xf32, #tpu.memory_space<vmem>>
        %dma_wait3A_155 = arith.constant 9984 : i32
        %dma_wait3A_156 = arith.constant 0 : i32
        %dma_wait3A_157 = tpu.memref_slice %arg46[%dma_wait3A_155, %dma_wait3A_156] : memref<10000x128xf32, #tpu.memory_space<vmem_shared>> -> memref<16x128xf32, #tpu.memory_space<vmem_shared>>
        %dma_wait3A_158 = arith.constant 9984 : i32
        %dma_wait3A_159 = arith.constant 0 : i32
        %dma_wait3A_160 = tpu.memref_slice %arg46[%dma_wait3A_158, %dma_wait3A_159] : memref<10000x128xf32, #tpu.memory_space<vmem_shared>> -> memref<16x128xf32, #tpu.memory_space<vmem_shared>>
        %dma_wait3A_161 = arith.constant 0 : i32
        %dma_wait3A_162 = arith.constant 0 : i32
        %dma_wait3A_163 = tpu.memref_slice %arg21[%dma_wait3A_161, %dma_wait3A_162] : memref<48x128xf32, #tpu.memory_space<vmem>> -> memref<16x128xf32, #tpu.memory_space<vmem>>
        tpu.wait_dma2 semaphore(%run_scoped3A : memref<!tpu.dma_semaphore, #tpu.memory_space<semaphore_mem>>) src(%dma_wait3A_163 : memref<16x128xf32, #tpu.memory_space<vmem>>) dst(%dma_wait3A_160 : memref<16x128xf32, #tpu.memory_space<vmem_shared>>)
        tpu.yield
      }) : () -> ()
    } else {
    }
    %barrier3A = arith.constant 0 : index
    tpu.barrier barrier_id(%barrier3A)
    %scan3A_76 = arith.constant 0 : i32
    %scan3A_77 = arith.constant 31 : i32
    %scan3A_78 = arith.addi %scan3A_76, %scan3A_77 : i32
    %scan3A_79 = arith.constant 1 : i32
    scf.for %scan3A_140 = %scan3A_76 to %scan3A_78 step %scan3A_79  : i32 {
      %mul3A_141 = arith.constant 8 : i32
      %mul3A_142 = arith.muli %scan3A_140, %mul3A_141 : i32
      %add3A_143 = arith.constant 0 : i32
      %add3A_144 = arith.addi %mul3A_142, %add3A_143 : i32
      %add3A_145 = arith.constant 6 : i32
      %add3A_146 = arith.addi %add3A_144, %add3A_145 : i32
      %lt3A_147 = arith.constant 250 : i32
      %lt3A_148 = arith.cmpi slt, %add3A_146, %lt3A_147 : i32
      %convert_element_type3A_149 = arith.extui %lt3A_148 : i1 to i32
      %cond3A_150 = arith.constant 0 : i32
      %cond3A_151 = arith.cmpi ne, %convert_element_type3A_149, %cond3A_150 : i32
      scf.if %cond3A_151 {
        %add3A_349 = arith.constant 6 : i32
        %add3A_350 = arith.addi %add3A_144, %add3A_349 : i32
        %ge3A = arith.constant 8 : i32
        %ge3A_351 = arith.cmpi sge, %add3A_350, %ge3A : i32
        %convert_element_type3A_352 = arith.extui %ge3A_351 : i1 to i32
        %cond3A_353 = arith.constant 0 : i32
        %cond3A_354 = arith.cmpi ne, %convert_element_type3A_352, %cond3A_353 : i32
        scf.if %cond3A_354 {
          %dma_wait3A_369 = arith.constant 0 : i32
          %dma_wait3A_370 = arith.constant 0 : i32
          %dma_wait3A_371 = tpu.memref_slice %arg46[%dma_wait3A_369, %dma_wait3A_370] : memref<10000x128xf32, #tpu.memory_space<vmem_shared>> -> memref<10000x128xf32, #tpu.memory_space<vmem_shared>>
          tpu.wait_indirect_dma semaphore(%arg44 : memref<!tpu.dma_semaphore, #tpu.memory_space<semaphore_mem>>) src(%arg11 : memref<40x128xf32, #tpu.memory_space<vmem>>) dst(%dma_wait3A_371 : memref<10000x128xf32, #tpu.memory_space<vmem_shared>>)
        } else {
        }
        %add3A_355 = arith.constant 6 : i32
        %add3A_356 = arith.addi %add3A_144, %add3A_355 : i32
        %mul3A_357 = arith.constant 40 : i32
        %mul3A_358 = arith.muli %add3A_356, %mul3A_357 : i32
        %add3A_359 = arith.addi %mul3A_2, %mul3A_358 : i32
        %dma_start3A_360 = arith.constant 0 : i32
        %dma_start3A_361 = tpu.memref_slice %arg2[%add3A_359, %dma_start3A_360] : memref<320000x128xf32, #tpu.memory_space<hbm>> -> memref<40x128xf32, #tpu.memory_space<hbm>>
        %dma_start3A_362 = arith.constant 0 : i32
        %dma_start3A_363 = tpu.memref_slice %arg2[%add3A_359, %dma_start3A_362] : memref<320000x128xf32, #tpu.memory_space<hbm>> -> memref<40x128xf32, #tpu.memory_space<hbm>>
        tpu.enqueue_dma source(%dma_start3A_363 : memref<40x128xf32, #tpu.memory_space<hbm>>) target(%arg11 : memref<40x128xf32, #tpu.memory_space<vmem>>) target_semaphore(%arg28 : memref<!tpu.dma_semaphore, #tpu.memory_space<semaphore_mem>>)
        %mul3A_364 = arith.constant 40 : i32
        %mul3A_365 = arith.muli %add3A_356, %mul3A_364 : i32
        %add3A_366 = arith.addi %mul3A_2, %mul3A_365 : i32
        %dma_start3A_367 = tpu.memref_slice %arg3[%add3A_366] : memref<320000xi32, #tpu.memory_space<hbm>> -> memref<40xi32, #tpu.memory_space<hbm>>
        %dma_start3A_368 = tpu.memref_slice %arg3[%add3A_366] : memref<320000xi32, #tpu.memory_space<hbm>> -> memref<40xi32, #tpu.memory_space<hbm>>
        tpu.enqueue_dma source(%dma_start3A_368 : memref<40xi32, #tpu.memory_space<hbm>>) target(%arg19 : memref<40xi32, #tpu.memory_space<vmem>>) target_semaphore(%arg36 : memref<!tpu.dma_semaphore, #tpu.memory_space<semaphore_mem>>)
      } else {
      }
      %mul3A_152 = arith.constant 40 : i32
      %mul3A_153 = arith.muli %add3A_144, %mul3A_152 : i32
      %add3A_154 = arith.addi %mul3A_2, %mul3A_153 : i32
      %dma_wait3A_155 = arith.constant 0 : i32
      %dma_wait3A_156 = tpu.memref_slice %arg2[%add3A_154, %dma_wait3A_155] : memref<320000x128xf32, #tpu.memory_space<hbm>> -> memref<40x128xf32, #tpu.memory_space<hbm>>
      %dma_wait3A_157 = arith.constant 0 : i32
      %dma_wait3A_158 = tpu.memref_slice %arg2[%add3A_154, %dma_wait3A_157] : memref<320000x128xf32, #tpu.memory_space<hbm>> -> memref<40x128xf32, #tpu.memory_space<hbm>>
      tpu.wait_dma2 semaphore(%arg22 : memref<!tpu.dma_semaphore, #tpu.memory_space<semaphore_mem>>) src(%dma_wait3A_158 : memref<40x128xf32, #tpu.memory_space<hbm>>) dst(%arg5 : memref<40x128xf32, #tpu.memory_space<vmem>>)
      %mul3A_159 = arith.constant 40 : i32
      %mul3A_160 = arith.muli %add3A_144, %mul3A_159 : i32
      %add3A_161 = arith.addi %mul3A_2, %mul3A_160 : i32
      %dma_wait3A_162 = tpu.memref_slice %arg3[%add3A_161] : memref<320000xi32, #tpu.memory_space<hbm>> -> memref<40xi32, #tpu.memory_space<hbm>>
      %dma_wait3A_163 = tpu.memref_slice %arg3[%add3A_161] : memref<320000xi32, #tpu.memory_space<hbm>> -> memref<40xi32, #tpu.memory_space<hbm>>
      tpu.wait_dma2 semaphore(%arg30 : memref<!tpu.dma_semaphore, #tpu.memory_space<semaphore_mem>>) src(%dma_wait3A_163 : memref<40xi32, #tpu.memory_space<hbm>>) dst(%arg13 : memref<40xi32, #tpu.memory_space<vmem>>)
      %dma_start3A_164 = arith.constant 0 : i32
      %dma_start3A_165 = arith.constant 0 : i32
      %dma_start3A_166 = tpu.memref_slice %arg46[%dma_start3A_164, %dma_start3A_165] : memref<10000x128xf32, #tpu.memory_space<vmem_shared>> -> memref<10000x128xf32, #tpu.memory_space<vmem_shared>>
      tpu.enqueue_indirect_dma source(%arg5 : memref<40x128xf32, #tpu.memory_space<vmem>>) target(%dma_start3A_166 : memref<10000x128xf32, #tpu.memory_space<vmem_shared>>) offsets(%arg13 : memref<40xi32, #tpu.memory_space<vmem>>) semaphore(%arg38 : memref<!tpu.dma_semaphore, #tpu.memory_space<semaphore_mem>>) {add = true}
      %mul3A_167 = arith.constant 8 : i32
      %mul3A_168 = arith.muli %scan3A_140, %mul3A_167 : i32
      %add3A_169 = arith.constant 1 : i32
      %add3A_170 = arith.addi %mul3A_168, %add3A_169 : i32
      %add3A_171 = arith.constant 6 : i32
      %add3A_172 = arith.addi %add3A_170, %add3A_171 : i32
      %lt3A_173 = arith.constant 250 : i32
      %lt3A_174 = arith.cmpi slt, %add3A_172, %lt3A_173 : i32
      %convert_element_type3A_175 = arith.extui %lt3A_174 : i1 to i32
      %cond3A_176 = arith.constant 0 : i32
      %cond3A_177 = arith.cmpi ne, %convert_element_type3A_175, %cond3A_176 : i32
      scf.if %cond3A_177 {
        %add3A_349 = arith.constant 6 : i32
        %add3A_350 = arith.addi %add3A_170, %add3A_349 : i32
        %ge3A = arith.constant 8 : i32
        %ge3A_351 = arith.cmpi sge, %add3A_350, %ge3A : i32
        %convert_element_type3A_352 = arith.extui %ge3A_351 : i1 to i32
        %cond3A_353 = arith.constant 0 : i32
        %cond3A_354 = arith.cmpi ne, %convert_element_type3A_352, %cond3A_353 : i32
        scf.if %cond3A_354 {
          %dma_wait3A_369 = arith.constant 0 : i32
          %dma_wait3A_370 = arith.constant 0 : i32
          %dma_wait3A_371 = tpu.memref_slice %arg46[%dma_wait3A_369, %dma_wait3A_370] : memref<10000x128xf32, #tpu.memory_space<vmem_shared>> -> memref<10000x128xf32, #tpu.memory_space<vmem_shared>>
          tpu.wait_indirect_dma semaphore(%arg45 : memref<!tpu.dma_semaphore, #tpu.memory_space<semaphore_mem>>) src(%arg12 : memref<40x128xf32, #tpu.memory_space<vmem>>) dst(%dma_wait3A_371 : memref<10000x128xf32, #tpu.memory_space<vmem_shared>>)
        } else {
        }
        %add3A_355 = arith.constant 6 : i32
        %add3A_356 = arith.addi %add3A_170, %add3A_355 : i32
        %mul3A_357 = arith.constant 40 : i32
        %mul3A_358 = arith.muli %add3A_356, %mul3A_357 : i32
        %add3A_359 = arith.addi %mul3A_2, %mul3A_358 : i32
        %dma_start3A_360 = arith.constant 0 : i32
        %dma_start3A_361 = tpu.memref_slice %arg2[%add3A_359, %dma_start3A_360] : memref<320000x128xf32, #tpu.memory_space<hbm>> -> memref<40x128xf32, #tpu.memory_space<hbm>>
        %dma_start3A_362 = arith.constant 0 : i32
        %dma_start3A_363 = tpu.memref_slice %arg2[%add3A_359, %dma_start3A_362] : memref<320000x128xf32, #tpu.memory_space<hbm>> -> memref<40x128xf32, #tpu.memory_space<hbm>>
        tpu.enqueue_dma source(%dma_start3A_363 : memref<40x128xf32, #tpu.memory_space<hbm>>) target(%arg12 : memref<40x128xf32, #tpu.memory_space<vmem>>) target_semaphore(%arg29 : memref<!tpu.dma_semaphore, #tpu.memory_space<semaphore_mem>>)
        %mul3A_364 = arith.constant 40 : i32
        %mul3A_365 = arith.muli %add3A_356, %mul3A_364 : i32
        %add3A_366 = arith.addi %mul3A_2, %mul3A_365 : i32
        %dma_start3A_367 = tpu.memref_slice %arg3[%add3A_366] : memref<320000xi32, #tpu.memory_space<hbm>> -> memref<40xi32, #tpu.memory_space<hbm>>
        %dma_start3A_368 = tpu.memref_slice %arg3[%add3A_366] : memref<320000xi32, #tpu.memory_space<hbm>> -> memref<40xi32, #tpu.memory_space<hbm>>
        tpu.enqueue_dma source(%dma_start3A_368 : memref<40xi32, #tpu.memory_space<hbm>>) target(%arg20 : memref<40xi32, #tpu.memory_space<vmem>>) target_semaphore(%arg37 : memref<!tpu.dma_semaphore, #tpu.memory_space<semaphore_mem>>)
      } else {
      }
      %mul3A_178 = arith.constant 40 : i32
      %mul3A_179 = arith.muli %add3A_170, %mul3A_178 : i32
      %add3A_180 = arith.addi %mul3A_2, %mul3A_179 : i32
      %dma_wait3A_181 = arith.constant 0 : i32
      %dma_wait3A_182 = tpu.memref_slice %arg2[%add3A_180, %dma_wait3A_181] : memref<320000x128xf32, #tpu.memory_space<hbm>> -> memref<40x128xf32, #tpu.memory_space<hbm>>
      %dma_wait3A_183 = arith.constant 0 : i32
      %dma_wait3A_184 = tpu.memref_slice %arg2[%add3A_180, %dma_wait3A_183] : memref<320000x128xf32, #tpu.memory_space<hbm>> -> memref<40x128xf32, #tpu.memory_space<hbm>>
      tpu.wait_dma2 semaphore(%arg23 : memref<!tpu.dma_semaphore, #tpu.memory_space<semaphore_mem>>) src(%dma_wait3A_184 : memref<40x128xf32, #tpu.memory_space<hbm>>) dst(%arg6 : memref<40x128xf32, #tpu.memory_space<vmem>>)
      %mul3A_185 = arith.constant 40 : i32
      %mul3A_186 = arith.muli %add3A_170, %mul3A_185 : i32
      %add3A_187 = arith.addi %mul3A_2, %mul3A_186 : i32
      %dma_wait3A_188 = tpu.memref_slice %arg3[%add3A_187] : memref<320000xi32, #tpu.memory_space<hbm>> -> memref<40xi32, #tpu.memory_space<hbm>>
      %dma_wait3A_189 = tpu.memref_slice %arg3[%add3A_187] : memref<320000xi32, #tpu.memory_space<hbm>> -> memref<40xi32, #tpu.memory_space<hbm>>
      tpu.wait_dma2 semaphore(%arg31 : memref<!tpu.dma_semaphore, #tpu.memory_space<semaphore_mem>>) src(%dma_wait3A_189 : memref<40xi32, #tpu.memory_space<hbm>>) dst(%arg14 : memref<40xi32, #tpu.memory_space<vmem>>)
      %dma_start3A_190 = arith.constant 0 : i32
      %dma_start3A_191 = arith.constant 0 : i32
      %dma_start3A_192 = tpu.memref_slice %arg46[%dma_start3A_190, %dma_start3A_191] : memref<10000x128xf32, #tpu.memory_space<vmem_shared>> -> memref<10000x128xf32, #tpu.memory_space<vmem_shared>>
      tpu.enqueue_indirect_dma source(%arg6 : memref<40x128xf32, #tpu.memory_space<vmem>>) target(%dma_start3A_192 : memref<10000x128xf32, #tpu.memory_space<vmem_shared>>) offsets(%arg14 : memref<40xi32, #tpu.memory_space<vmem>>) semaphore(%arg39 : memref<!tpu.dma_semaphore, #tpu.memory_space<semaphore_mem>>) {add = true}
      %mul3A_193 = arith.constant 8 : i32
      %mul3A_194 = arith.muli %scan3A_140, %mul3A_193 : i32
      %add3A_195 = arith.constant 2 : i32
      %add3A_196 = arith.addi %mul3A_194, %add3A_195 : i32
      %add3A_197 = arith.constant 6 : i32
      %add3A_198 = arith.addi %add3A_196, %add3A_197 : i32
      %lt3A_199 = arith.constant 250 : i32
      %lt3A_200 = arith.cmpi slt, %add3A_198, %lt3A_199 : i32
      %convert_element_type3A_201 = arith.extui %lt3A_200 : i1 to i32
      %cond3A_202 = arith.constant 0 : i32
      %cond3A_203 = arith.cmpi ne, %convert_element_type3A_201, %cond3A_202 : i32
      scf.if %cond3A_203 {
        %add3A_349 = arith.constant 6 : i32
        %add3A_350 = arith.addi %add3A_196, %add3A_349 : i32
        %ge3A = arith.constant 8 : i32
        %ge3A_351 = arith.cmpi sge, %add3A_350, %ge3A : i32
        %convert_element_type3A_352 = arith.extui %ge3A_351 : i1 to i32
        %cond3A_353 = arith.constant 0 : i32
        %cond3A_354 = arith.cmpi ne, %convert_element_type3A_352, %cond3A_353 : i32
        scf.if %cond3A_354 {
          %dma_wait3A_369 = arith.constant 0 : i32
          %dma_wait3A_370 = arith.constant 0 : i32
          %dma_wait3A_371 = tpu.memref_slice %arg46[%dma_wait3A_369, %dma_wait3A_370] : memref<10000x128xf32, #tpu.memory_space<vmem_shared>> -> memref<10000x128xf32, #tpu.memory_space<vmem_shared>>
          tpu.wait_indirect_dma semaphore(%arg38 : memref<!tpu.dma_semaphore, #tpu.memory_space<semaphore_mem>>) src(%arg5 : memref<40x128xf32, #tpu.memory_space<vmem>>) dst(%dma_wait3A_371 : memref<10000x128xf32, #tpu.memory_space<vmem_shared>>)
        } else {
        }
        %add3A_355 = arith.constant 6 : i32
        %add3A_356 = arith.addi %add3A_196, %add3A_355 : i32
        %mul3A_357 = arith.constant 40 : i32
        %mul3A_358 = arith.muli %add3A_356, %mul3A_357 : i32
        %add3A_359 = arith.addi %mul3A_2, %mul3A_358 : i32
        %dma_start3A_360 = arith.constant 0 : i32
        %dma_start3A_361 = tpu.memref_slice %arg2[%add3A_359, %dma_start3A_360] : memref<320000x128xf32, #tpu.memory_space<hbm>> -> memref<40x128xf32, #tpu.memory_space<hbm>>
        %dma_start3A_362 = arith.constant 0 : i32
        %dma_start3A_363 = tpu.memref_slice %arg2[%add3A_359, %dma_start3A_362] : memref<320000x128xf32, #tpu.memory_space<hbm>> -> memref<40x128xf32, #tpu.memory_space<hbm>>
        tpu.enqueue_dma source(%dma_start3A_363 : memref<40x128xf32, #tpu.memory_space<hbm>>) target(%arg5 : memref<40x128xf32, #tpu.memory_space<vmem>>) target_semaphore(%arg22 : memref<!tpu.dma_semaphore, #tpu.memory_space<semaphore_mem>>)
        %mul3A_364 = arith.constant 40 : i32
        %mul3A_365 = arith.muli %add3A_356, %mul3A_364 : i32
        %add3A_366 = arith.addi %mul3A_2, %mul3A_365 : i32
        %dma_start3A_367 = tpu.memref_slice %arg3[%add3A_366] : memref<320000xi32, #tpu.memory_space<hbm>> -> memref<40xi32, #tpu.memory_space<hbm>>
        %dma_start3A_368 = tpu.memref_slice %arg3[%add3A_366] : memref<320000xi32, #tpu.memory_space<hbm>> -> memref<40xi32, #tpu.memory_space<hbm>>
        tpu.enqueue_dma source(%dma_start3A_368 : memref<40xi32, #tpu.memory_space<hbm>>) target(%arg13 : memref<40xi32, #tpu.memory_space<vmem>>) target_semaphore(%arg30 : memref<!tpu.dma_semaphore, #tpu.memory_space<semaphore_mem>>)
      } else {
      }
      %mul3A_204 = arith.constant 40 : i32
      %mul3A_205 = arith.muli %add3A_196, %mul3A_204 : i32
      %add3A_206 = arith.addi %mul3A_2, %mul3A_205 : i32
      %dma_wait3A_207 = arith.constant 0 : i32
      %dma_wait3A_208 = tpu.memref_slice %arg2[%add3A_206, %dma_wait3A_207] : memref<320000x128xf32, #tpu.memory_space<hbm>> -> memref<40x128xf32, #tpu.memory_space<hbm>>
      %dma_wait3A_209 = arith.constant 0 : i32
      %dma_wait3A_210 = tpu.memref_slice %arg2[%add3A_206, %dma_wait3A_209] : memref<320000x128xf32, #tpu.memory_space<hbm>> -> memref<40x128xf32, #tpu.memory_space<hbm>>
      tpu.wait_dma2 semaphore(%arg24 : memref<!tpu.dma_semaphore, #tpu.memory_space<semaphore_mem>>) src(%dma_wait3A_210 : memref<40x128xf32, #tpu.memory_space<hbm>>) dst(%arg7 : memref<40x128xf32, #tpu.memory_space<vmem>>)
      %mul3A_211 = arith.constant 40 : i32
      %mul3A_212 = arith.muli %add3A_196, %mul3A_211 : i32
      %add3A_213 = arith.addi %mul3A_2, %mul3A_212 : i32
      %dma_wait3A_214 = tpu.memref_slice %arg3[%add3A_213] : memref<320000xi32, #tpu.memory_space<hbm>> -> memref<40xi32, #tpu.memory_space<hbm>>
      %dma_wait3A_215 = tpu.memref_slice %arg3[%add3A_213] : memref<320000xi32, #tpu.memory_space<hbm>> -> memref<40xi32, #tpu.memory_space<hbm>>
      tpu.wait_dma2 semaphore(%arg32 : memref<!tpu.dma_semaphore, #tpu.memory_space<semaphore_mem>>) src(%dma_wait3A_215 : memref<40xi32, #tpu.memory_space<hbm>>) dst(%arg15 : memref<40xi32, #tpu.memory_space<vmem>>)
      %dma_start3A_216 = arith.constant 0 : i32
      %dma_start3A_217 = arith.constant 0 : i32
      %dma_start3A_218 = tpu.memref_slice %arg46[%dma_start3A_216, %dma_start3A_217] : memref<10000x128xf32, #tpu.memory_space<vmem_shared>> -> memref<10000x128xf32, #tpu.memory_space<vmem_shared>>
      tpu.enqueue_indirect_dma source(%arg7 : memref<40x128xf32, #tpu.memory_space<vmem>>) target(%dma_start3A_218 : memref<10000x128xf32, #tpu.memory_space<vmem_shared>>) offsets(%arg15 : memref<40xi32, #tpu.memory_space<vmem>>) semaphore(%arg40 : memref<!tpu.dma_semaphore, #tpu.memory_space<semaphore_mem>>) {add = true}
      %mul3A_219 = arith.constant 8 : i32
      %mul3A_220 = arith.muli %scan3A_140, %mul3A_219 : i32
      %add3A_221 = arith.constant 3 : i32
      %add3A_222 = arith.addi %mul3A_220, %add3A_221 : i32
      %add3A_223 = arith.constant 6 : i32
      %add3A_224 = arith.addi %add3A_222, %add3A_223 : i32
      %lt3A_225 = arith.constant 250 : i32
      %lt3A_226 = arith.cmpi slt, %add3A_224, %lt3A_225 : i32
      %convert_element_type3A_227 = arith.extui %lt3A_226 : i1 to i32
      %cond3A_228 = arith.constant 0 : i32
      %cond3A_229 = arith.cmpi ne, %convert_element_type3A_227, %cond3A_228 : i32
      scf.if %cond3A_229 {
        %add3A_349 = arith.constant 6 : i32
        %add3A_350 = arith.addi %add3A_222, %add3A_349 : i32
        %ge3A = arith.constant 8 : i32
        %ge3A_351 = arith.cmpi sge, %add3A_350, %ge3A : i32
        %convert_element_type3A_352 = arith.extui %ge3A_351 : i1 to i32
        %cond3A_353 = arith.constant 0 : i32
        %cond3A_354 = arith.cmpi ne, %convert_element_type3A_352, %cond3A_353 : i32
        scf.if %cond3A_354 {
          %dma_wait3A_369 = arith.constant 0 : i32
          %dma_wait3A_370 = arith.constant 0 : i32
          %dma_wait3A_371 = tpu.memref_slice %arg46[%dma_wait3A_369, %dma_wait3A_370] : memref<10000x128xf32, #tpu.memory_space<vmem_shared>> -> memref<10000x128xf32, #tpu.memory_space<vmem_shared>>
          tpu.wait_indirect_dma semaphore(%arg39 : memref<!tpu.dma_semaphore, #tpu.memory_space<semaphore_mem>>) src(%arg6 : memref<40x128xf32, #tpu.memory_space<vmem>>) dst(%dma_wait3A_371 : memref<10000x128xf32, #tpu.memory_space<vmem_shared>>)
        } else {
        }
        %add3A_355 = arith.constant 6 : i32
        %add3A_356 = arith.addi %add3A_222, %add3A_355 : i32
        %mul3A_357 = arith.constant 40 : i32
        %mul3A_358 = arith.muli %add3A_356, %mul3A_357 : i32
        %add3A_359 = arith.addi %mul3A_2, %mul3A_358 : i32
        %dma_start3A_360 = arith.constant 0 : i32
        %dma_start3A_361 = tpu.memref_slice %arg2[%add3A_359, %dma_start3A_360] : memref<320000x128xf32, #tpu.memory_space<hbm>> -> memref<40x128xf32, #tpu.memory_space<hbm>>
        %dma_start3A_362 = arith.constant 0 : i32
        %dma_start3A_363 = tpu.memref_slice %arg2[%add3A_359, %dma_start3A_362] : memref<320000x128xf32, #tpu.memory_space<hbm>> -> memref<40x128xf32, #tpu.memory_space<hbm>>
        tpu.enqueue_dma source(%dma_start3A_363 : memref<40x128xf32, #tpu.memory_space<hbm>>) target(%arg6 : memref<40x128xf32, #tpu.memory_space<vmem>>) target_semaphore(%arg23 : memref<!tpu.dma_semaphore, #tpu.memory_space<semaphore_mem>>)
        %mul3A_364 = arith.constant 40 : i32
        %mul3A_365 = arith.muli %add3A_356, %mul3A_364 : i32
        %add3A_366 = arith.addi %mul3A_2, %mul3A_365 : i32
        %dma_start3A_367 = tpu.memref_slice %arg3[%add3A_366] : memref<320000xi32, #tpu.memory_space<hbm>> -> memref<40xi32, #tpu.memory_space<hbm>>
        %dma_start3A_368 = tpu.memref_slice %arg3[%add3A_366] : memref<320000xi32, #tpu.memory_space<hbm>> -> memref<40xi32, #tpu.memory_space<hbm>>
        tpu.enqueue_dma source(%dma_start3A_368 : memref<40xi32, #tpu.memory_space<hbm>>) target(%arg14 : memref<40xi32, #tpu.memory_space<vmem>>) target_semaphore(%arg31 : memref<!tpu.dma_semaphore, #tpu.memory_space<semaphore_mem>>)
      } else {
      }
      %mul3A_230 = arith.constant 40 : i32
      %mul3A_231 = arith.muli %add3A_222, %mul3A_230 : i32
      %add3A_232 = arith.addi %mul3A_2, %mul3A_231 : i32
      %dma_wait3A_233 = arith.constant 0 : i32
      %dma_wait3A_234 = tpu.memref_slice %arg2[%add3A_232, %dma_wait3A_233] : memref<320000x128xf32, #tpu.memory_space<hbm>> -> memref<40x128xf32, #tpu.memory_space<hbm>>
      %dma_wait3A_235 = arith.constant 0 : i32
      %dma_wait3A_236 = tpu.memref_slice %arg2[%add3A_232, %dma_wait3A_235] : memref<320000x128xf32, #tpu.memory_space<hbm>> -> memref<40x128xf32, #tpu.memory_space<hbm>>
      tpu.wait_dma2 semaphore(%arg25 : memref<!tpu.dma_semaphore, #tpu.memory_space<semaphore_mem>>) src(%dma_wait3A_236 : memref<40x128xf32, #tpu.memory_space<hbm>>) dst(%arg8 : memref<40x128xf32, #tpu.memory_space<vmem>>)
      %mul3A_237 = arith.constant 40 : i32
      %mul3A_238 = arith.muli %add3A_222, %mul3A_237 : i32
      %add3A_239 = arith.addi %mul3A_2, %mul3A_238 : i32
      %dma_wait3A_240 = tpu.memref_slice %arg3[%add3A_239] : memref<320000xi32, #tpu.memory_space<hbm>> -> memref<40xi32, #tpu.memory_space<hbm>>
      %dma_wait3A_241 = tpu.memref_slice %arg3[%add3A_239] : memref<320000xi32, #tpu.memory_space<hbm>> -> memref<40xi32, #tpu.memory_space<hbm>>
      tpu.wait_dma2 semaphore(%arg33 : memref<!tpu.dma_semaphore, #tpu.memory_space<semaphore_mem>>) src(%dma_wait3A_241 : memref<40xi32, #tpu.memory_space<hbm>>) dst(%arg16 : memref<40xi32, #tpu.memory_space<vmem>>)
      %dma_start3A_242 = arith.constant 0 : i32
      %dma_start3A_243 = arith.constant 0 : i32
      %dma_start3A_244 = tpu.memref_slice %arg46[%dma_start3A_242, %dma_start3A_243] : memref<10000x128xf32, #tpu.memory_space<vmem_shared>> -> memref<10000x128xf32, #tpu.memory_space<vmem_shared>>
      tpu.enqueue_indirect_dma source(%arg8 : memref<40x128xf32, #tpu.memory_space<vmem>>) target(%dma_start3A_244 : memref<10000x128xf32, #tpu.memory_space<vmem_shared>>) offsets(%arg16 : memref<40xi32, #tpu.memory_space<vmem>>) semaphore(%arg41 : memref<!tpu.dma_semaphore, #tpu.memory_space<semaphore_mem>>) {add = true}
      %mul3A_245 = arith.constant 8 : i32
      %mul3A_246 = arith.muli %scan3A_140, %mul3A_245 : i32
      %add3A_247 = arith.constant 4 : i32
      %add3A_248 = arith.addi %mul3A_246, %add3A_247 : i32
      %add3A_249 = arith.constant 6 : i32
      %add3A_250 = arith.addi %add3A_248, %add3A_249 : i32
      %lt3A_251 = arith.constant 250 : i32
      %lt3A_252 = arith.cmpi slt, %add3A_250, %lt3A_251 : i32
      %convert_element_type3A_253 = arith.extui %lt3A_252 : i1 to i32
      %cond3A_254 = arith.constant 0 : i32
      %cond3A_255 = arith.cmpi ne, %convert_element_type3A_253, %cond3A_254 : i32
      scf.if %cond3A_255 {
        %add3A_349 = arith.constant 6 : i32
        %add3A_350 = arith.addi %add3A_248, %add3A_349 : i32
        %ge3A = arith.constant 8 : i32
        %ge3A_351 = arith.cmpi sge, %add3A_350, %ge3A : i32
        %convert_element_type3A_352 = arith.extui %ge3A_351 : i1 to i32
        %cond3A_353 = arith.constant 0 : i32
        %cond3A_354 = arith.cmpi ne, %convert_element_type3A_352, %cond3A_353 : i32
        scf.if %cond3A_354 {
          %dma_wait3A_369 = arith.constant 0 : i32
          %dma_wait3A_370 = arith.constant 0 : i32
          %dma_wait3A_371 = tpu.memref_slice %arg46[%dma_wait3A_369, %dma_wait3A_370] : memref<10000x128xf32, #tpu.memory_space<vmem_shared>> -> memref<10000x128xf32, #tpu.memory_space<vmem_shared>>
          tpu.wait_indirect_dma semaphore(%arg40 : memref<!tpu.dma_semaphore, #tpu.memory_space<semaphore_mem>>) src(%arg7 : memref<40x128xf32, #tpu.memory_space<vmem>>) dst(%dma_wait3A_371 : memref<10000x128xf32, #tpu.memory_space<vmem_shared>>)
        } else {
        }
        %add3A_355 = arith.constant 6 : i32
        %add3A_356 = arith.addi %add3A_248, %add3A_355 : i32
        %mul3A_357 = arith.constant 40 : i32
        %mul3A_358 = arith.muli %add3A_356, %mul3A_357 : i32
        %add3A_359 = arith.addi %mul3A_2, %mul3A_358 : i32
        %dma_start3A_360 = arith.constant 0 : i32
        %dma_start3A_361 = tpu.memref_slice %arg2[%add3A_359, %dma_start3A_360] : memref<320000x128xf32, #tpu.memory_space<hbm>> -> memref<40x128xf32, #tpu.memory_space<hbm>>
        %dma_start3A_362 = arith.constant 0 : i32
        %dma_start3A_363 = tpu.memref_slice %arg2[%add3A_359, %dma_start3A_362] : memref<320000x128xf32, #tpu.memory_space<hbm>> -> memref<40x128xf32, #tpu.memory_space<hbm>>
        tpu.enqueue_dma source(%dma_start3A_363 : memref<40x128xf32, #tpu.memory_space<hbm>>) target(%arg7 : memref<40x128xf32, #tpu.memory_space<vmem>>) target_semaphore(%arg24 : memref<!tpu.dma_semaphore, #tpu.memory_space<semaphore_mem>>)
        %mul3A_364 = arith.constant 40 : i32
        %mul3A_365 = arith.muli %add3A_356, %mul3A_364 : i32
        %add3A_366 = arith.addi %mul3A_2, %mul3A_365 : i32
        %dma_start3A_367 = tpu.memref_slice %arg3[%add3A_366] : memref<320000xi32, #tpu.memory_space<hbm>> -> memref<40xi32, #tpu.memory_space<hbm>>
        %dma_start3A_368 = tpu.memref_slice %arg3[%add3A_366] : memref<320000xi32, #tpu.memory_space<hbm>> -> memref<40xi32, #tpu.memory_space<hbm>>
        tpu.enqueue_dma source(%dma_start3A_368 : memref<40xi32, #tpu.memory_space<hbm>>) target(%arg15 : memref<40xi32, #tpu.memory_space<vmem>>) target_semaphore(%arg32 : memref<!tpu.dma_semaphore, #tpu.memory_space<semaphore_mem>>)
      } else {
      }
      %mul3A_256 = arith.constant 40 : i32
      %mul3A_257 = arith.muli %add3A_248, %mul3A_256 : i32
      %add3A_258 = arith.addi %mul3A_2, %mul3A_257 : i32
      %dma_wait3A_259 = arith.constant 0 : i32
      %dma_wait3A_260 = tpu.memref_slice %arg2[%add3A_258, %dma_wait3A_259] : memref<320000x128xf32, #tpu.memory_space<hbm>> -> memref<40x128xf32, #tpu.memory_space<hbm>>
      %dma_wait3A_261 = arith.constant 0 : i32
      %dma_wait3A_262 = tpu.memref_slice %arg2[%add3A_258, %dma_wait3A_261] : memref<320000x128xf32, #tpu.memory_space<hbm>> -> memref<40x128xf32, #tpu.memory_space<hbm>>
      tpu.wait_dma2 semaphore(%arg26 : memref<!tpu.dma_semaphore, #tpu.memory_space<semaphore_mem>>) src(%dma_wait3A_262 : memref<40x128xf32, #tpu.memory_space<hbm>>) dst(%arg9 : memref<40x128xf32, #tpu.memory_space<vmem>>)
      %mul3A_263 = arith.constant 40 : i32
      %mul3A_264 = arith.muli %add3A_248, %mul3A_263 : i32
      %add3A_265 = arith.addi %mul3A_2, %mul3A_264 : i32
      %dma_wait3A_266 = tpu.memref_slice %arg3[%add3A_265] : memref<320000xi32, #tpu.memory_space<hbm>> -> memref<40xi32, #tpu.memory_space<hbm>>
      %dma_wait3A_267 = tpu.memref_slice %arg3[%add3A_265] : memref<320000xi32, #tpu.memory_space<hbm>> -> memref<40xi32, #tpu.memory_space<hbm>>
      tpu.wait_dma2 semaphore(%arg34 : memref<!tpu.dma_semaphore, #tpu.memory_space<semaphore_mem>>) src(%dma_wait3A_267 : memref<40xi32, #tpu.memory_space<hbm>>) dst(%arg17 : memref<40xi32, #tpu.memory_space<vmem>>)
      %dma_start3A_268 = arith.constant 0 : i32
      %dma_start3A_269 = arith.constant 0 : i32
      %dma_start3A_270 = tpu.memref_slice %arg46[%dma_start3A_268, %dma_start3A_269] : memref<10000x128xf32, #tpu.memory_space<vmem_shared>> -> memref<10000x128xf32, #tpu.memory_space<vmem_shared>>
      tpu.enqueue_indirect_dma source(%arg9 : memref<40x128xf32, #tpu.memory_space<vmem>>) target(%dma_start3A_270 : memref<10000x128xf32, #tpu.memory_space<vmem_shared>>) offsets(%arg17 : memref<40xi32, #tpu.memory_space<vmem>>) semaphore(%arg42 : memref<!tpu.dma_semaphore, #tpu.memory_space<semaphore_mem>>) {add = true}
      %mul3A_271 = arith.constant 8 : i32
      %mul3A_272 = arith.muli %scan3A_140, %mul3A_271 : i32
      %add3A_273 = arith.constant 5 : i32
      %add3A_274 = arith.addi %mul3A_272, %add3A_273 : i32
      %add3A_275 = arith.constant 6 : i32
      %add3A_276 = arith.addi %add3A_274, %add3A_275 : i32
      %lt3A_277 = arith.constant 250 : i32
      %lt3A_278 = arith.cmpi slt, %add3A_276, %lt3A_277 : i32
      %convert_element_type3A_279 = arith.extui %lt3A_278 : i1 to i32
      %cond3A_280 = arith.constant 0 : i32
      %cond3A_281 = arith.cmpi ne, %convert_element_type3A_279, %cond3A_280 : i32
      scf.if %cond3A_281 {
        %add3A_349 = arith.constant 6 : i32
        %add3A_350 = arith.addi %add3A_274, %add3A_349 : i32
        %ge3A = arith.constant 8 : i32
        %ge3A_351 = arith.cmpi sge, %add3A_350, %ge3A : i32
        %convert_element_type3A_352 = arith.extui %ge3A_351 : i1 to i32
        %cond3A_353 = arith.constant 0 : i32
        %cond3A_354 = arith.cmpi ne, %convert_element_type3A_352, %cond3A_353 : i32
        scf.if %cond3A_354 {
          %dma_wait3A_369 = arith.constant 0 : i32
          %dma_wait3A_370 = arith.constant 0 : i32
          %dma_wait3A_371 = tpu.memref_slice %arg46[%dma_wait3A_369, %dma_wait3A_370] : memref<10000x128xf32, #tpu.memory_space<vmem_shared>> -> memref<10000x128xf32, #tpu.memory_space<vmem_shared>>
          tpu.wait_indirect_dma semaphore(%arg41 : memref<!tpu.dma_semaphore, #tpu.memory_space<semaphore_mem>>) src(%arg8 : memref<40x128xf32, #tpu.memory_space<vmem>>) dst(%dma_wait3A_371 : memref<10000x128xf32, #tpu.memory_space<vmem_shared>>)
        } else {
        }
        %add3A_355 = arith.constant 6 : i32
        %add3A_356 = arith.addi %add3A_274, %add3A_355 : i32
        %mul3A_357 = arith.constant 40 : i32
        %mul3A_358 = arith.muli %add3A_356, %mul3A_357 : i32
        %add3A_359 = arith.addi %mul3A_2, %mul3A_358 : i32
        %dma_start3A_360 = arith.constant 0 : i32
        %dma_start3A_361 = tpu.memref_slice %arg2[%add3A_359, %dma_start3A_360] : memref<320000x128xf32, #tpu.memory_space<hbm>> -> memref<40x128xf32, #tpu.memory_space<hbm>>
        %dma_start3A_362 = arith.constant 0 : i32
        %dma_start3A_363 = tpu.memref_slice %arg2[%add3A_359, %dma_start3A_362] : memref<320000x128xf32, #tpu.memory_space<hbm>> -> memref<40x128xf32, #tpu.memory_space<hbm>>
        tpu.enqueue_dma source(%dma_start3A_363 : memref<40x128xf32, #tpu.memory_space<hbm>>) target(%arg8 : memref<40x128xf32, #tpu.memory_space<vmem>>) target_semaphore(%arg25 : memref<!tpu.dma_semaphore, #tpu.memory_space<semaphore_mem>>)
        %mul3A_364 = arith.constant 40 : i32
        %mul3A_365 = arith.muli %add3A_356, %mul3A_364 : i32
        %add3A_366 = arith.addi %mul3A_2, %mul3A_365 : i32
        %dma_start3A_367 = tpu.memref_slice %arg3[%add3A_366] : memref<320000xi32, #tpu.memory_space<hbm>> -> memref<40xi32, #tpu.memory_space<hbm>>
        %dma_start3A_368 = tpu.memref_slice %arg3[%add3A_366] : memref<320000xi32, #tpu.memory_space<hbm>> -> memref<40xi32, #tpu.memory_space<hbm>>
        tpu.enqueue_dma source(%dma_start3A_368 : memref<40xi32, #tpu.memory_space<hbm>>) target(%arg16 : memref<40xi32, #tpu.memory_space<vmem>>) target_semaphore(%arg33 : memref<!tpu.dma_semaphore, #tpu.memory_space<semaphore_mem>>)
      } else {
      }
      %mul3A_282 = arith.constant 40 : i32
      %mul3A_283 = arith.muli %add3A_274, %mul3A_282 : i32
      %add3A_284 = arith.addi %mul3A_2, %mul3A_283 : i32
      %dma_wait3A_285 = arith.constant 0 : i32
      %dma_wait3A_286 = tpu.memref_slice %arg2[%add3A_284, %dma_wait3A_285] : memref<320000x128xf32, #tpu.memory_space<hbm>> -> memref<40x128xf32, #tpu.memory_space<hbm>>
      %dma_wait3A_287 = arith.constant 0 : i32
      %dma_wait3A_288 = tpu.memref_slice %arg2[%add3A_284, %dma_wait3A_287] : memref<320000x128xf32, #tpu.memory_space<hbm>> -> memref<40x128xf32, #tpu.memory_space<hbm>>
      tpu.wait_dma2 semaphore(%arg27 : memref<!tpu.dma_semaphore, #tpu.memory_space<semaphore_mem>>) src(%dma_wait3A_288 : memref<40x128xf32, #tpu.memory_space<hbm>>) dst(%arg10 : memref<40x128xf32, #tpu.memory_space<vmem>>)
      %mul3A_289 = arith.constant 40 : i32
      %mul3A_290 = arith.muli %add3A_274, %mul3A_289 : i32
      %add3A_291 = arith.addi %mul3A_2, %mul3A_290 : i32
      %dma_wait3A_292 = tpu.memref_slice %arg3[%add3A_291] : memref<320000xi32, #tpu.memory_space<hbm>> -> memref<40xi32, #tpu.memory_space<hbm>>
      %dma_wait3A_293 = tpu.memref_slice %arg3[%add3A_291] : memref<320000xi32, #tpu.memory_space<hbm>> -> memref<40xi32, #tpu.memory_space<hbm>>
      tpu.wait_dma2 semaphore(%arg35 : memref<!tpu.dma_semaphore, #tpu.memory_space<semaphore_mem>>) src(%dma_wait3A_293 : memref<40xi32, #tpu.memory_space<hbm>>) dst(%arg18 : memref<40xi32, #tpu.memory_space<vmem>>)
      %dma_start3A_294 = arith.constant 0 : i32
      %dma_start3A_295 = arith.constant 0 : i32
      %dma_start3A_296 = tpu.memref_slice %arg46[%dma_start3A_294, %dma_start3A_295] : memref<10000x128xf32, #tpu.memory_space<vmem_shared>> -> memref<10000x128xf32, #tpu.memory_space<vmem_shared>>
      tpu.enqueue_indirect_dma source(%arg10 : memref<40x128xf32, #tpu.memory_space<vmem>>) target(%dma_start3A_296 : memref<10000x128xf32, #tpu.memory_space<vmem_shared>>) offsets(%arg18 : memref<40xi32, #tpu.memory_space<vmem>>) semaphore(%arg43 : memref<!tpu.dma_semaphore, #tpu.memory_space<semaphore_mem>>) {add = true}
      %mul3A_297 = arith.constant 8 : i32
      %mul3A_298 = arith.muli %scan3A_140, %mul3A_297 : i32
      %add3A_299 = arith.constant 6 : i32
      %add3A_300 = arith.addi %mul3A_298, %add3A_299 : i32
      %add3A_301 = arith.constant 6 : i32
      %add3A_302 = arith.addi %add3A_300, %add3A_301 : i32
      %lt3A_303 = arith.constant 250 : i32
      %lt3A_304 = arith.cmpi slt, %add3A_302, %lt3A_303 : i32
      %convert_element_type3A_305 = arith.extui %lt3A_304 : i1 to i32
      %cond3A_306 = arith.constant 0 : i32
      %cond3A_307 = arith.cmpi ne, %convert_element_type3A_305, %cond3A_306 : i32
      scf.if %cond3A_307 {
        %add3A_349 = arith.constant 6 : i32
        %add3A_350 = arith.addi %add3A_300, %add3A_349 : i32
        %ge3A = arith.constant 8 : i32
        %ge3A_351 = arith.cmpi sge, %add3A_350, %ge3A : i32
        %convert_element_type3A_352 = arith.extui %ge3A_351 : i1 to i32
        %cond3A_353 = arith.constant 0 : i32
        %cond3A_354 = arith.cmpi ne, %convert_element_type3A_352, %cond3A_353 : i32
        scf.if %cond3A_354 {
          %dma_wait3A_369 = arith.constant 0 : i32
          %dma_wait3A_370 = arith.constant 0 : i32
          %dma_wait3A_371 = tpu.memref_slice %arg46[%dma_wait3A_369, %dma_wait3A_370] : memref<10000x128xf32, #tpu.memory_space<vmem_shared>> -> memref<10000x128xf32, #tpu.memory_space<vmem_shared>>
          tpu.wait_indirect_dma semaphore(%arg42 : memref<!tpu.dma_semaphore, #tpu.memory_space<semaphore_mem>>) src(%arg9 : memref<40x128xf32, #tpu.memory_space<vmem>>) dst(%dma_wait3A_371 : memref<10000x128xf32, #tpu.memory_space<vmem_shared>>)
        } else {
        }
        %add3A_355 = arith.constant 6 : i32
        %add3A_356 = arith.addi %add3A_300, %add3A_355 : i32
        %mul3A_357 = arith.constant 40 : i32
        %mul3A_358 = arith.muli %add3A_356, %mul3A_357 : i32
        %add3A_359 = arith.addi %mul3A_2, %mul3A_358 : i32
        %dma_start3A_360 = arith.constant 0 : i32
        %dma_start3A_361 = tpu.memref_slice %arg2[%add3A_359, %dma_start3A_360] : memref<320000x128xf32, #tpu.memory_space<hbm>> -> memref<40x128xf32, #tpu.memory_space<hbm>>
        %dma_start3A_362 = arith.constant 0 : i32
        %dma_start3A_363 = tpu.memref_slice %arg2[%add3A_359, %dma_start3A_362] : memref<320000x128xf32, #tpu.memory_space<hbm>> -> memref<40x128xf32, #tpu.memory_space<hbm>>
        tpu.enqueue_dma source(%dma_start3A_363 : memref<40x128xf32, #tpu.memory_space<hbm>>) target(%arg9 : memref<40x128xf32, #tpu.memory_space<vmem>>) target_semaphore(%arg26 : memref<!tpu.dma_semaphore, #tpu.memory_space<semaphore_mem>>)
        %mul3A_364 = arith.constant 40 : i32
        %mul3A_365 = arith.muli %add3A_356, %mul3A_364 : i32
        %add3A_366 = arith.addi %mul3A_2, %mul3A_365 : i32
        %dma_start3A_367 = tpu.memref_slice %arg3[%add3A_366] : memref<320000xi32, #tpu.memory_space<hbm>> -> memref<40xi32, #tpu.memory_space<hbm>>
        %dma_start3A_368 = tpu.memref_slice %arg3[%add3A_366] : memref<320000xi32, #tpu.memory_space<hbm>> -> memref<40xi32, #tpu.memory_space<hbm>>
        tpu.enqueue_dma source(%dma_start3A_368 : memref<40xi32, #tpu.memory_space<hbm>>) target(%arg17 : memref<40xi32, #tpu.memory_space<vmem>>) target_semaphore(%arg34 : memref<!tpu.dma_semaphore, #tpu.memory_space<semaphore_mem>>)
      } else {
      }
      %mul3A_308 = arith.constant 40 : i32
      %mul3A_309 = arith.muli %add3A_300, %mul3A_308 : i32
      %add3A_310 = arith.addi %mul3A_2, %mul3A_309 : i32
      %dma_wait3A_311 = arith.constant 0 : i32
      %dma_wait3A_312 = tpu.memref_slice %arg2[%add3A_310, %dma_wait3A_311] : memref<320000x128xf32, #tpu.memory_space<hbm>> -> memref<40x128xf32, #tpu.memory_space<hbm>>
      %dma_wait3A_313 = arith.constant 0 : i32
      %dma_wait3A_314 = tpu.memref_slice %arg2[%add3A_310, %dma_wait3A_313] : memref<320000x128xf32, #tpu.memory_space<hbm>> -> memref<40x128xf32, #tpu.memory_space<hbm>>
      tpu.wait_dma2 semaphore(%arg28 : memref<!tpu.dma_semaphore, #tpu.memory_space<semaphore_mem>>) src(%dma_wait3A_314 : memref<40x128xf32, #tpu.memory_space<hbm>>) dst(%arg11 : memref<40x128xf32, #tpu.memory_space<vmem>>)
      %mul3A_315 = arith.constant 40 : i32
      %mul3A_316 = arith.muli %add3A_300, %mul3A_315 : i32
      %add3A_317 = arith.addi %mul3A_2, %mul3A_316 : i32
      %dma_wait3A_318 = tpu.memref_slice %arg3[%add3A_317] : memref<320000xi32, #tpu.memory_space<hbm>> -> memref<40xi32, #tpu.memory_space<hbm>>
      %dma_wait3A_319 = tpu.memref_slice %arg3[%add3A_317] : memref<320000xi32, #tpu.memory_space<hbm>> -> memref<40xi32, #tpu.memory_space<hbm>>
      tpu.wait_dma2 semaphore(%arg36 : memref<!tpu.dma_semaphore, #tpu.memory_space<semaphore_mem>>) src(%dma_wait3A_319 : memref<40xi32, #tpu.memory_space<hbm>>) dst(%arg19 : memref<40xi32, #tpu.memory_space<vmem>>)
      %dma_start3A_320 = arith.constant 0 : i32
      %dma_start3A_321 = arith.constant 0 : i32
      %dma_start3A_322 = tpu.memref_slice %arg46[%dma_start3A_320, %dma_start3A_321] : memref<10000x128xf32, #tpu.memory_space<vmem_shared>> -> memref<10000x128xf32, #tpu.memory_space<vmem_shared>>
      tpu.enqueue_indirect_dma source(%arg11 : memref<40x128xf32, #tpu.memory_space<vmem>>) target(%dma_start3A_322 : memref<10000x128xf32, #tpu.memory_space<vmem_shared>>) offsets(%arg19 : memref<40xi32, #tpu.memory_space<vmem>>) semaphore(%arg44 : memref<!tpu.dma_semaphore, #tpu.memory_space<semaphore_mem>>) {add = true}
      %mul3A_323 = arith.constant 8 : i32
      %mul3A_324 = arith.muli %scan3A_140, %mul3A_323 : i32
      %add3A_325 = arith.constant 7 : i32
      %add3A_326 = arith.addi %mul3A_324, %add3A_325 : i32
      %add3A_327 = arith.constant 6 : i32
      %add3A_328 = arith.addi %add3A_326, %add3A_327 : i32
      %lt3A_329 = arith.constant 250 : i32
      %lt3A_330 = arith.cmpi slt, %add3A_328, %lt3A_329 : i32
      %convert_element_type3A_331 = arith.extui %lt3A_330 : i1 to i32
      %cond3A_332 = arith.constant 0 : i32
      %cond3A_333 = arith.cmpi ne, %convert_element_type3A_331, %cond3A_332 : i32
      scf.if %cond3A_333 {
        %add3A_349 = arith.constant 6 : i32
        %add3A_350 = arith.addi %add3A_326, %add3A_349 : i32
        %ge3A = arith.constant 8 : i32
        %ge3A_351 = arith.cmpi sge, %add3A_350, %ge3A : i32
        %convert_element_type3A_352 = arith.extui %ge3A_351 : i1 to i32
        %cond3A_353 = arith.constant 0 : i32
        %cond3A_354 = arith.cmpi ne, %convert_element_type3A_352, %cond3A_353 : i32
        scf.if %cond3A_354 {
          %dma_wait3A_369 = arith.constant 0 : i32
          %dma_wait3A_370 = arith.constant 0 : i32
          %dma_wait3A_371 = tpu.memref_slice %arg46[%dma_wait3A_369, %dma_wait3A_370] : memref<10000x128xf32, #tpu.memory_space<vmem_shared>> -> memref<10000x128xf32, #tpu.memory_space<vmem_shared>>
          tpu.wait_indirect_dma semaphore(%arg43 : memref<!tpu.dma_semaphore, #tpu.memory_space<semaphore_mem>>) src(%arg10 : memref<40x128xf32, #tpu.memory_space<vmem>>) dst(%dma_wait3A_371 : memref<10000x128xf32, #tpu.memory_space<vmem_shared>>)
        } else {
        }
        %add3A_355 = arith.constant 6 : i32
        %add3A_356 = arith.addi %add3A_326, %add3A_355 : i32
        %mul3A_357 = arith.constant 40 : i32
        %mul3A_358 = arith.muli %add3A_356, %mul3A_357 : i32
        %add3A_359 = arith.addi %mul3A_2, %mul3A_358 : i32
        %dma_start3A_360 = arith.constant 0 : i32
        %dma_start3A_361 = tpu.memref_slice %arg2[%add3A_359, %dma_start3A_360] : memref<320000x128xf32, #tpu.memory_space<hbm>> -> memref<40x128xf32, #tpu.memory_space<hbm>>
        %dma_start3A_362 = arith.constant 0 : i32
        %dma_start3A_363 = tpu.memref_slice %arg2[%add3A_359, %dma_start3A_362] : memref<320000x128xf32, #tpu.memory_space<hbm>> -> memref<40x128xf32, #tpu.memory_space<hbm>>
        tpu.enqueue_dma source(%dma_start3A_363 : memref<40x128xf32, #tpu.memory_space<hbm>>) target(%arg10 : memref<40x128xf32, #tpu.memory_space<vmem>>) target_semaphore(%arg27 : memref<!tpu.dma_semaphore, #tpu.memory_space<semaphore_mem>>)
        %mul3A_364 = arith.constant 40 : i32
        %mul3A_365 = arith.muli %add3A_356, %mul3A_364 : i32
        %add3A_366 = arith.addi %mul3A_2, %mul3A_365 : i32
        %dma_start3A_367 = tpu.memref_slice %arg3[%add3A_366] : memref<320000xi32, #tpu.memory_space<hbm>> -> memref<40xi32, #tpu.memory_space<hbm>>
        %dma_start3A_368 = tpu.memref_slice %arg3[%add3A_366] : memref<320000xi32, #tpu.memory_space<hbm>> -> memref<40xi32, #tpu.memory_space<hbm>>
        tpu.enqueue_dma source(%dma_start3A_368 : memref<40xi32, #tpu.memory_space<hbm>>) target(%arg18 : memref<40xi32, #tpu.memory_space<vmem>>) target_semaphore(%arg35 : memref<!tpu.dma_semaphore, #tpu.memory_space<semaphore_mem>>)
      } else {
      }
      %mul3A_334 = arith.constant 40 : i32
      %mul3A_335 = arith.muli %add3A_326, %mul3A_334 : i32
      %add3A_336 = arith.addi %mul3A_2, %mul3A_335 : i32
      %dma_wait3A_337 = arith.constant 0 : i32
      %dma_wait3A_338 = tpu.memref_slice %arg2[%add3A_336, %dma_wait3A_337] : memref<320000x128xf32, #tpu.memory_space<hbm>> -> memref<40x128xf32, #tpu.memory_space<hbm>>
      %dma_wait3A_339 = arith.constant 0 : i32
      %dma_wait3A_340 = tpu.memref_slice %arg2[%add3A_336, %dma_wait3A_339] : memref<320000x128xf32, #tpu.memory_space<hbm>> -> memref<40x128xf32, #tpu.memory_space<hbm>>
      tpu.wait_dma2 semaphore(%arg29 : memref<!tpu.dma_semaphore, #tpu.memory_space<semaphore_mem>>) src(%dma_wait3A_340 : memref<40x128xf32, #tpu.memory_space<hbm>>) dst(%arg12 : memref<40x128xf32, #tpu.memory_space<vmem>>)
      %mul3A_341 = arith.constant 40 : i32
      %mul3A_342 = arith.muli %add3A_326, %mul3A_341 : i32
      %add3A_343 = arith.addi %mul3A_2, %mul3A_342 : i32
      %dma_wait3A_344 = tpu.memref_slice %arg3[%add3A_343] : memref<320000xi32, #tpu.memory_space<hbm>> -> memref<40xi32, #tpu.memory_space<hbm>>
      %dma_wait3A_345 = tpu.memref_slice %arg3[%add3A_343] : memref<320000xi32, #tpu.memory_space<hbm>> -> memref<40xi32, #tpu.memory_space<hbm>>
      tpu.wait_dma2 semaphore(%arg37 : memref<!tpu.dma_semaphore, #tpu.memory_space<semaphore_mem>>) src(%dma_wait3A_345 : memref<40xi32, #tpu.memory_space<hbm>>) dst(%arg20 : memref<40xi32, #tpu.memory_space<vmem>>)
      %dma_start3A_346 = arith.constant 0 : i32
      %dma_start3A_347 = arith.constant 0 : i32
      %dma_start3A_348 = tpu.memref_slice %arg46[%dma_start3A_346, %dma_start3A_347] : memref<10000x128xf32, #tpu.memory_space<vmem_shared>> -> memref<10000x128xf32, #tpu.memory_space<vmem_shared>>
      tpu.enqueue_indirect_dma source(%arg12 : memref<40x128xf32, #tpu.memory_space<vmem>>) target(%dma_start3A_348 : memref<10000x128xf32, #tpu.memory_space<vmem_shared>>) offsets(%arg20 : memref<40xi32, #tpu.memory_space<vmem>>) semaphore(%arg45 : memref<!tpu.dma_semaphore, #tpu.memory_space<semaphore_mem>>) {add = true}
    }
    %scan3A_80 = arith.constant 31 : i32
    %add3A_81 = arith.constant 9920 : i32
    %add3A_82 = arith.addi %mul3A_2, %add3A_81 : i32
    %dma_wait3A = arith.constant 0 : i32
    %dma_wait3A_83 = tpu.memref_slice %arg2[%add3A_82, %dma_wait3A] : memref<320000x128xf32, #tpu.memory_space<hbm>> -> memref<40x128xf32, #tpu.memory_space<hbm>>
    %dma_wait3A_84 = arith.constant 0 : i32
    %dma_wait3A_85 = tpu.memref_slice %arg2[%add3A_82, %dma_wait3A_84] : memref<320000x128xf32, #tpu.memory_space<hbm>> -> memref<40x128xf32, #tpu.memory_space<hbm>>
    tpu.wait_dma2 semaphore(%arg22 : memref<!tpu.dma_semaphore, #tpu.memory_space<semaphore_mem>>) src(%dma_wait3A_85 : memref<40x128xf32, #tpu.memory_space<hbm>>) dst(%arg5 : memref<40x128xf32, #tpu.memory_space<vmem>>)
    %add3A_86 = arith.constant 9920 : i32
    %add3A_87 = arith.addi %mul3A_2, %add3A_86 : i32
    %dma_wait3A_88 = tpu.memref_slice %arg3[%add3A_87] : memref<320000xi32, #tpu.memory_space<hbm>> -> memref<40xi32, #tpu.memory_space<hbm>>
    %dma_wait3A_89 = tpu.memref_slice %arg3[%add3A_87] : memref<320000xi32, #tpu.memory_space<hbm>> -> memref<40xi32, #tpu.memory_space<hbm>>
    tpu.wait_dma2 semaphore(%arg30 : memref<!tpu.dma_semaphore, #tpu.memory_space<semaphore_mem>>) src(%dma_wait3A_89 : memref<40xi32, #tpu.memory_space<hbm>>) dst(%arg13 : memref<40xi32, #tpu.memory_space<vmem>>)
    %dma_start3A_90 = arith.constant 0 : i32
    %dma_start3A_91 = arith.constant 0 : i32
    %dma_start3A_92 = tpu.memref_slice %arg46[%dma_start3A_90, %dma_start3A_91] : memref<10000x128xf32, #tpu.memory_space<vmem_shared>> -> memref<10000x128xf32, #tpu.memory_space<vmem_shared>>
    tpu.enqueue_indirect_dma source(%arg5 : memref<40x128xf32, #tpu.memory_space<vmem>>) target(%dma_start3A_92 : memref<10000x128xf32, #tpu.memory_space<vmem_shared>>) offsets(%arg13 : memref<40xi32, #tpu.memory_space<vmem>>) semaphore(%arg38 : memref<!tpu.dma_semaphore, #tpu.memory_space<semaphore_mem>>) {add = true}
    %add3A_93 = arith.constant 9960 : i32
    %add3A_94 = arith.addi %mul3A_2, %add3A_93 : i32
    %dma_wait3A_95 = arith.constant 0 : i32
    %dma_wait3A_96 = tpu.memref_slice %arg2[%add3A_94, %dma_wait3A_95] : memref<320000x128xf32, #tpu.memory_space<hbm>> -> memref<40x128xf32, #tpu.memory_space<hbm>>
    %dma_wait3A_97 = arith.constant 0 : i32
    %dma_wait3A_98 = tpu.memref_slice %arg2[%add3A_94, %dma_wait3A_97] : memref<320000x128xf32, #tpu.memory_space<hbm>> -> memref<40x128xf32, #tpu.memory_space<hbm>>
    tpu.wait_dma2 semaphore(%arg23 : memref<!tpu.dma_semaphore, #tpu.memory_space<semaphore_mem>>) src(%dma_wait3A_98 : memref<40x128xf32, #tpu.memory_space<hbm>>) dst(%arg6 : memref<40x128xf32, #tpu.memory_space<vmem>>)
    %add3A_99 = arith.constant 9960 : i32
    %add3A_100 = arith.addi %mul3A_2, %add3A_99 : i32
    %dma_wait3A_101 = tpu.memref_slice %arg3[%add3A_100] : memref<320000xi32, #tpu.memory_space<hbm>> -> memref<40xi32, #tpu.memory_space<hbm>>
    %dma_wait3A_102 = tpu.memref_slice %arg3[%add3A_100] : memref<320000xi32, #tpu.memory_space<hbm>> -> memref<40xi32, #tpu.memory_space<hbm>>
    tpu.wait_dma2 semaphore(%arg31 : memref<!tpu.dma_semaphore, #tpu.memory_space<semaphore_mem>>) src(%dma_wait3A_102 : memref<40xi32, #tpu.memory_space<hbm>>) dst(%arg14 : memref<40xi32, #tpu.memory_space<vmem>>)
    %dma_start3A_103 = arith.constant 0 : i32
    %dma_start3A_104 = arith.constant 0 : i32
    %dma_start3A_105 = tpu.memref_slice %arg46[%dma_start3A_103, %dma_start3A_104] : memref<10000x128xf32, #tpu.memory_space<vmem_shared>> -> memref<10000x128xf32, #tpu.memory_space<vmem_shared>>
    tpu.enqueue_indirect_dma source(%arg6 : memref<40x128xf32, #tpu.memory_space<vmem>>) target(%dma_start3A_105 : memref<10000x128xf32, #tpu.memory_space<vmem_shared>>) offsets(%arg14 : memref<40xi32, #tpu.memory_space<vmem>>) semaphore(%arg39 : memref<!tpu.dma_semaphore, #tpu.memory_space<semaphore_mem>>) {add = true}
    %dma_wait3A_106 = arith.constant 0 : i32
    %dma_wait3A_107 = arith.constant 0 : i32
    %dma_wait3A_108 = tpu.memref_slice %arg46[%dma_wait3A_106, %dma_wait3A_107] : memref<10000x128xf32, #tpu.memory_space<vmem_shared>> -> memref<10000x128xf32, #tpu.memory_space<vmem_shared>>
    tpu.wait_indirect_dma semaphore(%arg38 : memref<!tpu.dma_semaphore, #tpu.memory_space<semaphore_mem>>) src(%arg5 : memref<40x128xf32, #tpu.memory_space<vmem>>) dst(%dma_wait3A_108 : memref<10000x128xf32, #tpu.memory_space<vmem_shared>>)
    %dma_wait3A_109 = arith.constant 0 : i32
    %dma_wait3A_110 = arith.constant 0 : i32
    %dma_wait3A_111 = tpu.memref_slice %arg46[%dma_wait3A_109, %dma_wait3A_110] : memref<10000x128xf32, #tpu.memory_space<vmem_shared>> -> memref<10000x128xf32, #tpu.memory_space<vmem_shared>>
    tpu.wait_indirect_dma semaphore(%arg39 : memref<!tpu.dma_semaphore, #tpu.memory_space<semaphore_mem>>) src(%arg6 : memref<40x128xf32, #tpu.memory_space<vmem>>) dst(%dma_wait3A_111 : memref<10000x128xf32, #tpu.memory_space<vmem_shared>>)
    %dma_wait3A_112 = arith.constant 0 : i32
    %dma_wait3A_113 = arith.constant 0 : i32
    %dma_wait3A_114 = tpu.memref_slice %arg46[%dma_wait3A_112, %dma_wait3A_113] : memref<10000x128xf32, #tpu.memory_space<vmem_shared>> -> memref<10000x128xf32, #tpu.memory_space<vmem_shared>>
    tpu.wait_indirect_dma semaphore(%arg40 : memref<!tpu.dma_semaphore, #tpu.memory_space<semaphore_mem>>) src(%arg7 : memref<40x128xf32, #tpu.memory_space<vmem>>) dst(%dma_wait3A_114 : memref<10000x128xf32, #tpu.memory_space<vmem_shared>>)
    %dma_wait3A_115 = arith.constant 0 : i32
    %dma_wait3A_116 = arith.constant 0 : i32
    %dma_wait3A_117 = tpu.memref_slice %arg46[%dma_wait3A_115, %dma_wait3A_116] : memref<10000x128xf32, #tpu.memory_space<vmem_shared>> -> memref<10000x128xf32, #tpu.memory_space<vmem_shared>>
    tpu.wait_indirect_dma semaphore(%arg41 : memref<!tpu.dma_semaphore, #tpu.memory_space<semaphore_mem>>) src(%arg8 : memref<40x128xf32, #tpu.memory_space<vmem>>) dst(%dma_wait3A_117 : memref<10000x128xf32, #tpu.memory_space<vmem_shared>>)
    %dma_wait3A_118 = arith.constant 0 : i32
    %dma_wait3A_119 = arith.constant 0 : i32
    %dma_wait3A_120 = tpu.memref_slice %arg46[%dma_wait3A_118, %dma_wait3A_119] : memref<10000x128xf32, #tpu.memory_space<vmem_shared>> -> memref<10000x128xf32, #tpu.memory_space<vmem_shared>>
    tpu.wait_indirect_dma semaphore(%arg42 : memref<!tpu.dma_semaphore, #tpu.memory_space<semaphore_mem>>) src(%arg9 : memref<40x128xf32, #tpu.memory_space<vmem>>) dst(%dma_wait3A_120 : memref<10000x128xf32, #tpu.memory_space<vmem_shared>>)
    %dma_wait3A_121 = arith.constant 0 : i32
    %dma_wait3A_122 = arith.constant 0 : i32
    %dma_wait3A_123 = tpu.memref_slice %arg46[%dma_wait3A_121, %dma_wait3A_122] : memref<10000x128xf32, #tpu.memory_space<vmem_shared>> -> memref<10000x128xf32, #tpu.memory_space<vmem_shared>>
    tpu.wait_indirect_dma semaphore(%arg43 : memref<!tpu.dma_semaphore, #tpu.memory_space<semaphore_mem>>) src(%arg10 : memref<40x128xf32, #tpu.memory_space<vmem>>) dst(%dma_wait3A_123 : memref<10000x128xf32, #tpu.memory_space<vmem_shared>>)
    %dma_wait3A_124 = arith.constant 0 : i32
    %dma_wait3A_125 = arith.constant 0 : i32
    %dma_wait3A_126 = tpu.memref_slice %arg46[%dma_wait3A_124, %dma_wait3A_125] : memref<10000x128xf32, #tpu.memory_space<vmem_shared>> -> memref<10000x128xf32, #tpu.memory_space<vmem_shared>>
    tpu.wait_indirect_dma semaphore(%arg44 : memref<!tpu.dma_semaphore, #tpu.memory_space<semaphore_mem>>) src(%arg11 : memref<40x128xf32, #tpu.memory_space<vmem>>) dst(%dma_wait3A_126 : memref<10000x128xf32, #tpu.memory_space<vmem_shared>>)
    %dma_wait3A_127 = arith.constant 0 : i32
    %dma_wait3A_128 = arith.constant 0 : i32
    %dma_wait3A_129 = tpu.memref_slice %arg46[%dma_wait3A_127, %dma_wait3A_128] : memref<10000x128xf32, #tpu.memory_space<vmem_shared>> -> memref<10000x128xf32, #tpu.memory_space<vmem_shared>>
    tpu.wait_indirect_dma semaphore(%arg45 : memref<!tpu.dma_semaphore, #tpu.memory_space<semaphore_mem>>) src(%arg12 : memref<40x128xf32, #tpu.memory_space<vmem>>) dst(%dma_wait3A_129 : memref<10000x128xf32, #tpu.memory_space<vmem_shared>>)
    %barrier3A_130 = arith.constant 0 : index
    tpu.barrier barrier_id(%barrier3A_130)
    %lt3A = arith.constant 15 : i32
    %lt3A_131 = arith.cmpi slt, %arg1, %lt3A : i32
    %convert_element_type3A_132 = arith.extui %lt3A_131 : i1 to i32
    %cond3A_133 = arith.constant 0 : i32
    %cond3A_134 = arith.cmpi ne, %convert_element_type3A_132, %cond3A_133 : i32
    scf.if %cond3A_134 {
      "tpu.region"() ({
        %run_scoped3A = tpu.sem_alloc : memref<!tpu.dma_semaphore, #tpu.memory_space<semaphore_mem>>
        %dma_start3A_140 = arith.constant 0 : i32
        %dma_start3A_141 = tpu.memref_slice %arg4[%arg0, %mul3A_63, %dma_start3A_140] : memref<2x10000x128xf32, #tpu.memory_space<hbm>> -> memref<1x624x128xf32, #tpu.memory_space<hbm>>
        %dma_start3A_142 = tpu.memref_squeeze %dma_start3A_141 : memref<1x624x128xf32, #tpu.memory_space<hbm>> -> memref<624x128xf32, #tpu.memory_space<hbm>>
        %dma_start3A_143 = arith.constant 0 : i32
        %dma_start3A_144 = tpu.memref_slice %arg46[%mul3A_63, %dma_start3A_143] : memref<10000x128xf32, #tpu.memory_space<vmem_shared>> -> memref<624x128xf32, #tpu.memory_space<vmem_shared>>
        tpu.enqueue_dma source(%dma_start3A_144 : memref<624x128xf32, #tpu.memory_space<vmem_shared>>) target(%dma_start3A_142 : memref<624x128xf32, #tpu.memory_space<hbm>>) target_semaphore(%run_scoped3A : memref<!tpu.dma_semaphore, #tpu.memory_space<semaphore_mem>>)
        %dma_wait3A_145 = arith.constant 0 : i32
        %dma_wait3A_146 = tpu.memref_slice %arg4[%arg0, %mul3A_63, %dma_wait3A_145] : memref<2x10000x128xf32, #tpu.memory_space<hbm>> -> memref<1x624x128xf32, #tpu.memory_space<hbm>>
        %dma_wait3A_147 = tpu.memref_squeeze %dma_wait3A_146 : memref<1x624x128xf32, #tpu.memory_space<hbm>> -> memref<624x128xf32, #tpu.memory_space<hbm>>
        %dma_wait3A_148 = arith.constant 0 : i32
        %dma_wait3A_149 = tpu.memref_slice %arg46[%mul3A_63, %dma_wait3A_148] : memref<10000x128xf32, #tpu.memory_space<vmem_shared>> -> memref<624x128xf32, #tpu.memory_space<vmem_shared>>
        tpu.wait_dma2 semaphore(%run_scoped3A : memref<!tpu.dma_semaphore, #tpu.memory_space<semaphore_mem>>) src(%dma_wait3A_149 : memref<624x128xf32, #tpu.memory_space<vmem_shared>>) dst(%dma_wait3A_147 : memref<624x128xf32, #tpu.memory_space<hbm>>)
        tpu.yield
      }) : () -> ()
    } else {
    }
    %eq3A_135 = arith.constant 15 : i32
    %eq3A_136 = arith.cmpi eq, %arg1, %eq3A_135 : i32
    %convert_element_type3A_137 = arith.extui %eq3A_136 : i1 to i32
    %cond3A_138 = arith.constant 0 : i32
    %cond3A_139 = arith.cmpi ne, %convert_element_type3A_137, %cond3A_138 : i32
    scf.if %cond3A_139 {
      "tpu.region"() ({
        %run_scoped3A = tpu.sem_alloc : memref<!tpu.dma_semaphore, #tpu.memory_space<semaphore_mem>>
        %dma_start3A_140 = arith.constant 9360 : i32
        %dma_start3A_141 = arith.constant 0 : i32
        %dma_start3A_142 = tpu.memref_slice %arg4[%arg0, %dma_start3A_140, %dma_start3A_141] : memref<2x10000x128xf32, #tpu.memory_space<hbm>> -> memref<1x640x128xf32, #tpu.memory_space<hbm>>
        %dma_start3A_143 = tpu.memref_squeeze %dma_start3A_142 : memref<1x640x128xf32, #tpu.memory_space<hbm>> -> memref<640x128xf32, #tpu.memory_space<hbm>>
        %dma_start3A_144 = arith.constant 9360 : i32
        %dma_start3A_145 = arith.constant 0 : i32
        %dma_start3A_146 = tpu.memref_slice %arg46[%dma_start3A_144, %dma_start3A_145] : memref<10000x128xf32, #tpu.memory_space<vmem_shared>> -> memref<640x128xf32, #tpu.memory_space<vmem_shared>>
        tpu.enqueue_dma source(%dma_start3A_146 : memref<640x128xf32, #tpu.memory_space<vmem_shared>>) target(%dma_start3A_143 : memref<640x128xf32, #tpu.memory_space<hbm>>) target_semaphore(%run_scoped3A : memref<!tpu.dma_semaphore, #tpu.memory_space<semaphore_mem>>)
        %dma_wait3A_147 = arith.constant 9360 : i32
        %dma_wait3A_148 = arith.constant 0 : i32
        %dma_wait3A_149 = tpu.memref_slice %arg4[%arg0, %dma_wait3A_147, %dma_wait3A_148] : memref<2x10000x128xf32, #tpu.memory_space<hbm>> -> memref<1x640x128xf32, #tpu.memory_space<hbm>>
        %dma_wait3A_150 = tpu.memref_squeeze %dma_wait3A_149 : memref<1x640x128xf32, #tpu.memory_space<hbm>> -> memref<640x128xf32, #tpu.memory_space<hbm>>
        %dma_wait3A_151 = arith.constant 9360 : i32
        %dma_wait3A_152 = arith.constant 0 : i32
        %dma_wait3A_153 = tpu.memref_slice %arg46[%dma_wait3A_151, %dma_wait3A_152] : memref<10000x128xf32, #tpu.memory_space<vmem_shared>> -> memref<640x128xf32, #tpu.memory_space<vmem_shared>>
        tpu.wait_dma2 semaphore(%run_scoped3A : memref<!tpu.dma_semaphore, #tpu.memory_space<semaphore_mem>>) src(%dma_wait3A_153 : memref<640x128xf32, #tpu.memory_space<vmem_shared>>) dst(%dma_wait3A_150 : memref<640x128xf32, #tpu.memory_space<hbm>>)
        tpu.yield
      }) : () -> ()
    } else {
    }
    return
  }
}

module attributes {stable_mosaic.version = 14 : i64} {
  func.func @_combine_body(%arg0: memref<2x10000x128xf32, #tpu.memory_space<vmem>>, %arg1: memref<10000x128xf32, #tpu.memory_space<vmem>>) attributes {dimension_semantics = [], scalar_prefetch = 0 : i64, scratch_operands = 0 : i64, tpu.core_type = #tpu.core_type<tc>} {
    %get3A = arith.constant 0 : index
    %get3A_0 = arith.constant 0 : index
    %get3A_1 = arith.constant 0 : index
    %get3A_2 = vector.load %arg0[%get3A, %get3A_0, %get3A_1] : memref<2x10000x128xf32, #tpu.memory_space<vmem>>, vector<1x10000x128xf32>
    %get3A_3 = vector.shape_cast %get3A_2 : vector<1x10000x128xf32> to vector<10000x128xf32>
    %get3A_4 = arith.constant 1 : index
    %get3A_5 = arith.constant 0 : index
    %get3A_6 = arith.constant 0 : index
    %get3A_7 = vector.load %arg0[%get3A_4, %get3A_5, %get3A_6] : memref<2x10000x128xf32, #tpu.memory_space<vmem>>, vector<1x10000x128xf32>
    %get3A_8 = vector.shape_cast %get3A_7 : vector<1x10000x128xf32> to vector<10000x128xf32>
    %add3A = arith.addf %get3A_3, %get3A_8 : vector<10000x128xf32>
    %swap3A = arith.constant 0 : index
    %swap3A_9 = arith.constant 0 : index
    %swap3A_10 = vector.load %arg1[%swap3A, %swap3A_9] : memref<10000x128xf32, #tpu.memory_space<vmem>>, vector<10000x128xf32>
    tpu.vector_store %arg1[%swap3A, %swap3A_9], %add3A {strides = array<i32>} : memref<10000x128xf32, #tpu.memory_space<vmem>>, vector<10000x128xf32>,
    return
  }
}

</mosaic_0001>

<sc_bundles>
// kernel: kernel.4.cloned.1.call-start
scs
__scs_entry_jumppad:
0x0: {  	(pc) =	sbr.rel $0x88, $3  }
0x1: {  	(tag) =	ssettag $0x0;
	lr =	simm.s32 $0x1  }
0x2: {  	[smem:$0x3F9F] =	sst lr;
	_ =	strace $0xD0000000  }
0x3: {  	_ = 	snop  }
0x4: {  	_ = 	snop  }
0x5: {  	_ = 	snop  }
0x6: {  	_ = 	snop  }
0x7: {  	_ = 	snop  }
__scs_overlays_trampoline_lowered:
0x8: {  	[smem:$0x3FAE] =	sst s0  }
0x9: {  	[smem:$0x3FAF] =	sst s1  }
0xa: {  	[smem:$0x3FB0] =	sst s2  }
0xb: {  	[smem:$0x3FB1] =	sst s3  }
0xc: {  	[smem:$0x3FB2] =	sst s4  }
0xd: {  	[smem:$0x3FB3] =	sst s5  }
0xe: {  	[smem:$0x3FB4] =	sst s6  }
0xf: {  	[smem:$0x3FB5] =	sst s7  }
0x10: {  	[smem:$0x3FB6] =	sst s8  }
0x11: {  	[smem:$0x3FB7] =	sst s9;
	s0 =	simm.s32 @!p0 $0x0  }
0x12: {  	s1 =	sld [smem:$0x3F9D];
	s0 =	simm.s32 @p0 $0x1  }
0x13: {  	[smem:$0x3FB8] =	sst s0;
	s0 =	simm.s32 @!p1 $0x0  }
0x14: {  	s2 =	sld [smem:$0x3F9C];
	s0 =	simm.s32 @p1 $0x1  }
0x15: {  	[smem:$0x3FB9] =	sst s0;
	s0 =	simm.s32 @!p2 $0x0  }
0x16: {  	s3 =	sld [smem:$0x3FDB];
	s0 =	simm.s32 @p2 $0x1  }
0x17: {  	s4 =	simm.s32 $0x1BF5;
	[smem:$0x3FBB] =	sst s0  }
0x18: {  	s0 =	sld [smem:$0x3F9E];
	_ =	swait.ge [sflag:s4], $0x0  }
0x19: {  	s7 =	sld [smem:$0x3F9F]  }
0x1a: {  	s8 =	sadd.s32 $0xFFFFE003, lr  }
0x1b: {  	s9 =	sadd.s32 $0xFFFFFEF7, lr;
	s5 =	simm.s32 $0xFFFFFFFF;
	p2 =	slt.u32 s8, $0xFFFFF086  }
0x1c: {  	p1 =	slt.u32 s9, $0xF7A;
	s5 =	simm.s32 @!p2 $0x0  }
0x1d: {  	s5 =	simm.s32 @p1 $0x1;
	p0 =	seq.s32 s7, s2  }
0x1e: {  	s7 =	smul.u32 @!p0 $0xF7A, s2;
	p2 =	seq.s32 @!p0 s5, $0x0  }
0x1f: {  	s9 =	smul.u32 $0xF7A, s1;
	s8 =	simm.s32 @!p0 $0x1BF5;
	p2 =	por !p2, p0  }
0x20: {  	[sflag:s8] =	ssyncset.s32 @!p0 $0xFFFFF086;
	s6 =	sadd.s32 @!p0 s3, s7;
	s7 =	simm.s32 @!p0 $0x108  }
0x21: {  	s3 =	sadd.s32 s3, s9;
	s6 =	sadd.s32 @!p0 $0x88, s6;
	s7 =	simm.s32 @p2 $0x1082  }
0x22: {  	[simem:s7], [sflag:s8] =	dma.local @!p0 [hbm:s6], $0xF7A  }
0x23: {  	s9 =	sor.u32 $0xD0000000, s2;
	s6 =	simm.s32 $0x108;
	_ =	swait.ge @!p0 [sflag:s8], $0x0  }
0x24: {  	s3 =	sadd.s32 $0x88, s3;
	s6 =	simm.s32 @!p1 $0x1082;
	[sflag:s4] =	ssyncset.s32 $0xFFFFF086  }
0x25: {  	[simem:s6], [sflag:s4] =	dma.local [hbm:s3], $0xF7A  }
0x26: {  	[smem:$0x3F9F] =	sst s1;
	(tag) =	ssettag s2;
	_ =	strace s9  }
0x27: {  	s1 =	sld [smem:$0x3FAF]  }
0x28: {  	s2 =	sld [smem:$0x3FB0]  }
0x29: {  	s4 =	sld [smem:$0x3FB2]  }
0x2a: {  	p0 =	seq.s32 s5, $0x0;
	s5 =	sld [smem:$0x3FB3]  }
0x2b: {  	s6 =	sld [smem:$0x3FB4]  }
0x2c: {  	s7 =	sld [smem:$0x3FB5]  }
0x2d: {  	s3 =	simm.s32 $0x108;
	s8 =	sld [smem:$0x3FB6]  }
0x2e: {  	s3 =	simm.s32 @!p0 $0x1082;
	s9 =	sld [smem:$0x3FB7]  }
0x2f: {  	lr =	sadd.s32 s0, s3;
	s0 =	sld [smem:$0x3FAE]  }
0x30: {  	s3 =	sld [smem:$0x3FB1]  }
0x31: {  	[smem:$0x3FBA] =	sst s10  }
0x32: {  	s10 =	sld [smem:$0x3FB8];
	_ =	sdelay $0x3  }
0x33: {  	p0 =	seq.s32 s10, $0x1;
	s10 =	sld [smem:$0x3FBA];
	_ =	sdelay $0x3  }
0x34: {  	[smem:$0x3FBA] =	sst s10  }
0x35: {  	s10 =	sld [smem:$0x3FB9];
	_ =	sdelay $0x3  }
0x36: {  	p1 =	seq.s32 s10, $0x1;
	s10 =	sld [smem:$0x3FBA];
	_ =	sdelay $0x3  }
0x37: {  	[smem:$0x3FBA] =	sst s10  }
0x38: {  	s10 =	sld [smem:$0x3FBB]  }
0x39: {  	_ = 	snop;
	(pc) =	sbr.ind lr, $3  }
0x3a: {  	_ = 	snop  }
0x3b: {  	_ = 	snop  }
0x3c: {  	p2 =	seq.s32 s10, $0x1;
	s10 =	sld [smem:$0x3FBA]  }
0x3d: {  	_ =	shalt  }
0x3e: {  	_ =	shalt  }
0x3f: {  	_ =	shalt  }
0x40: {  	_ =	shalt  }
0x41: {  	_ =	shalt  }
0x42: {  	_ =	shalt  }
0x43: {  	_ =	shalt  }
0x44: {  	_ =	shalt  }
0x45: {  	_ =	shalt  }
0x46: {  	_ =	shalt  }
0x47: {  	_ =	shalt  }
0x48: {  	_ =	shalt  }
0x49: {  	_ =	shalt  }
0x4a: {  	_ =	shalt  }
0x4b: {  	_ =	shalt  }
0x4c: {  	_ =	shalt  }
0x4d: {  	_ =	shalt  }
0x4e: {  	_ =	shalt  }
0x4f: {  	_ =	shalt  }
0x50: {  	_ =	shalt  }
0x51: {  	_ =	shalt  }
0x52: {  	_ =	shalt  }
0x53: {  	_ =	shalt  }
0x54: {  	_ =	shalt  }
0x55: {  	_ =	shalt  }
0x56: {  	_ =	shalt  }
0x57: {  	_ =	shalt  }
0x58: {  	_ =	shalt  }
0x59: {  	_ =	shalt  }
0x5a: {  	_ =	shalt  }
0x5b: {  	_ =	shalt  }
0x5c: {  	_ =	shalt  }
0x5d: {  	_ =	shalt  }
0x5e: {  	_ =	shalt  }
0x5f: {  	_ =	shalt  }
0x60: {  	_ =	shalt  }
0x61: {  	_ =	shalt  }
0x62: {  	_ =	shalt  }
0x63: {  	_ =	shalt  }
0x64: {  	_ =	shalt  }
0x65: {  	_ =	shalt  }
0x66: {  	_ =	shalt  }
0x67: {  	_ =	shalt  }
0x68: {  	_ =	shalt  }
0x69: {  	_ =	shalt  }
0x6a: {  	_ =	shalt  }
0x6b: {  	_ =	shalt  }
0x6c: {  	_ =	shalt  }
0x6d: {  	_ =	shalt  }
0x6e: {  	_ =	shalt  }
0x6f: {  	_ =	shalt  }
0x70: {  	_ =	shalt  }
0x71: {  	_ =	shalt  }
0x72: {  	_ =	shalt  }
0x73: {  	_ =	shalt  }
0x74: {  	_ =	shalt  }
0x75: {  	_ =	shalt  }
0x76: {  	_ =	shalt  }
0x77: {  	_ =	shalt  }
0x78: {  	_ =	shalt  }
0x79: {  	_ =	shalt  }
0x7a: {  	_ =	shalt  }
0x7b: {  	_ =	shalt  }
0x7c: {  	_ =	shalt  }
0x7d: {  	_ =	shalt  }
0x7e: {  	_ =	shalt  }
0x7f: {  	_ =	shalt  }
0x80: {  	_ =	shalt  }
0x81: {  	_ =	shalt  }
0x82: {  	_ =	shalt  }
0x83: {  	_ =	shalt  }
0x84: {  	_ =	shalt  }
0x85: {  	_ =	shalt  }
0x86: {  	_ =	shalt  }
0x87: {  	_ =	shalt  }
.Lfunc_end0:
.L_simem_size_0:
called_computation_lowered:
.L_overlay_start_0:
0x88: {  	s2 =	sld [smem:$0x3FD9]  }
0x89: {  	s3 =	sld [smem:$0x3FFE];
	_ =	sdelay $0x1  }
0x8a: {  	s1 =	srdreg.scid  }
0x8b: {  	s0 =	sand.u32 $0x1, s1  }
0x8c: {  	s17 =	sshll.u32 s0, $0xA;
	s2 =	sadd.s32 s3, s2  }
0x8d: {  	s2 =	sadd.s32 s2, s17  }
0x8e: {  	[smem:$0x3FC6] =	sst s2  }
0x8f: {  	_ = 	snop  }
0x90: {  	s2 =	sld [smem:$0x3FC9]  }
0x91: {  	s18 =	sld [smem:$0x3FC8];
	(tm) =	ssettm $0x1  }
0x92: {  	s4 =	sld [smem:$0x3FFB];
	_ =	sdelay $0x3  }
0x93: {  	_ =	strace s4  }
0x94: {  	s4 =	sld [smem:$0x3FFC];
	_ =	sdelay $0x3  }
0x95: {  	_ =	strace s4  }
0x96: {  	s4 =	sld [smem:$0x3FFD];
	_ =	sdelay $0x3  }
0x97: {  	_ =	strace s4  }
0x98: {  	_ =	strace $0x8FFFFFFF  }
0x99: {  	s19 =	sld [smem:$0x3FDB];
	_ =	sdelay $0x1  }
0x9a: {  	s5 =	simm.s32 $_scs_section_size  }
0x9b: {  	s6 =	simm.s32 $_size__tile_overlayer_lowered;
	s7 =	simm.s32 $_tile_overlayer_lowered  }
0x9c: {  	s22 =	simm.s32 $0x1BFF;
	s21 =	sshll.u32 s7, $0x1;
	s4 =	sadd.s32 s5, s19  }
0x9d: {  	s8 =	simm.s32 $0x0;
	s20 =	sshll.u32 s6, $0x1;
	s6 =	sadd.s32 s21, s4  }
0x9e: {  	[timem:s8], [sflag:s22] =	dma.local [hbm:s6], s20  }
0x9f: {  	_ =	swait.ge [sflag:s22], s20  }
0xa0: {  	s5 =	ssub.s32 $0x0, s20;
	[sflag:s22] =	ssyncset.done $0x0  }
0xa1: {  	[sflag:s22] =	ssyncadd.s32 s5;
	_ =	sdelay $0x1  }
0xa2: {  	s23 =	simm.s32 $0x1B8B  }
0xa3: {  	_ =	swait.ge [sflag:s23], $0x1  }
0xa4: {  	[sflag:s23] =	ssyncset.done $0x0  }
0xa5: {  	s25 =	simm.s32 $0x1B8E;
	s24 =	sld [smem:$0x3FFE];
	[sflag:s23] =	ssyncadd.s32 $0xFFFFFFFF  }
0xa6: {  	s26 =	simm.s32 $execute0_lowered;
	[smem:$0x3FD2] =	sst s25  }
0xa7: {  	s6 =	sshll.u32 s26, $0x1;
	_ =	strace $0x80000046;
	[dreg:$0x1] =	wrdreg $0xFFFFFFFF  }
0xa8: {  	s28 =	simm.s32 $_size_execute0_lowered;
	s4 =	sadd.s32 s4, s6;
	[dreg:$0x0] =	wrdreg $0x0  }
0xa9: {  	s6 =	sshll.u32 s28, $0x1;
	[dreg:$0x2] =	wrdreg s4  }
0xaa: {  	[dreg:$0x3] =	wrdreg s6  }
0xab: {  	[dreg:$0x4] =	wrdreg $0xC0  }
0xac: {  	_ =	task [dreg:s8], $0x5FFFF  }
0xad: {  	[dreg:$0x1] =	wrdreg $0xFFFFFFFF  }
0xae: {  	[dreg:$0x0] =	wrdreg $0x60  }
0xaf: {  	[dreg:$0x2] =	wrdreg s2  }
0xb0: {  	[dreg:$0x3] =	wrdreg s18  }
0xb1: {  	[dreg:$0x4] =	wrdreg s24  }
0xb2: {  	[dreg:$0x5] =	wrdreg $0xBC000  }
0xb3: {  	[dreg:$0x6] =	wrdreg $0x9  }
0xb4: {  	_ =	task.clear_ibuf [dreg:s8], $0x7FFFF;
	_ =	strace $0x90000046  }
0xb5: {  	s29 =	simm.s32 $0x9;
	_ =	strace $0x80000048  }
0xb6: {  	_ =	swait.ge [sflag:s29], $0x1  }
0xb7: {  	[sflag:s29] =	ssyncadd.s32 $0xFFFFFFFF  }
0xb8: {  	_ =	strace $0x90000048  }
0xb9: {  	_ =	sfence  }
0xba: {  	s30 =	sld [smem:$0x0];
	_ =	sdelay $0x2  }
0xbb: {  	s31 =	sshll.u32 s1, $0xD;
	s1 =	sshrl.u32 s1, $0x2  }
0xbc: {  	s3 =	sand.u32 $0x4000, s31;
	s1 =	sadd.s32 s1, s30  }
0xbd: {  	s0 =	sor.u32 s3, s0;
	s1 =	sshll.u32 s1, $0x11  }
0xbe: {  	s0 =	sor.u32 s1, s0  }
0xbf: {  	s0 =	sadd.s32 $0x8F2B, s0  }
0xc0: {  	[sflag:s0] =	ssyncadd.remote.s32 $0x1  }
0xc1: {  	_ =	sfence.sel $0xFFFF  }
0xc2: {  	[dreg:$0x0] =	wrdreg $0xFFFFFFFF;
	(pc) =	sbr.abs _section_cstart, $3  }
0xc3: {  	[dreg:$0x1] =	wrdreg $0xFFFFFFFF  }
0xc4: {  	_ =	task.clear_ibuf [dreg:s8], $0x2FFFF;
	_ =	strace $0x9FFFFFFF  }
0xc5: {  	(tm) =	ssettm $0x7FFFFFFF  }
tec
execute0_lowered:
.L_overlay_start_1:
0x0: {  	(tag) =	ssettag $0x1  }
0x1: {  	s1 =	rddreg [dreg:$0x0]  }
0x2: {  	s17 =	rddreg [dreg:$0x1]  }
0x3: {  	s0 =	rddreg [dreg:$0x2];
	s2 =	srdreg.scid  }
0x4: {  	s12 =	stileid.u32;
	s3 =	rddreg [dreg:$0x3]  }
0x5: {  	s4 =	simm.s32 $0x0;
	s2 =	sand.u32 $0x1, s2;
	s5 =	sshll.u32 s12, $0x1  }
0x6: {  	[smem:$0x7FF] =	sst s4;
	s21 =	smul.u32 $0x4E20, s12;
	s5 =	sor.u32 s2, s5  }
0x7: {  	s9 =	sadd.s32 $0x600, s0;
	s6 =	ssub.s32 $0x2, s2;
	s7 =	smul.u32 $0x2710, s5  }
0x8: {  	p0 =	seq.s32 s12, $0xF;
	s8 =	sshrl.u32 s6, $0x1;
	s5 =	smul.u32 $0x27100, s5  }
0x9: {  	_ =	strace $0x80000047;
	s16 =	smul.u32 $0x138800, s2;
	s0 =	ssub.s32 s6, s8  }
0xa: {  	s22 =	sshrl.u32 s7, $0x3;
	s5 =	sadd.s32 s1, s5;
	s24 =	sadd.s32 $0x28, s7  }
0xb: {  	s26 =	sadd.s32 $0x50, s7;
	s10 =	sadd.s32 $0x78, s7;
	s14 =	sadd.s32 $0xA0, s7  }
0xc: {  	s7 =	sadd.s32 $0xC8, s7;
	s0 =	smax.u32 s0, $0x1;
	[dreg:$0xe] =	wrdreg s5  }
0xd: {  	s23 =	sadd.s32 s17, s22;
	s25 =	sshll.u32 s24, $0x4;
	s5 =	sshrl.u32 s24, $0x3  }
0xe: {  	s8 =	sshrl.u32 s26, $0x3;
	s11 =	sshll.u32 s10, $0x4;
	[dreg:$0x1e] =	wrdreg s0  }
0xf: {  	s15 =	sshll.u32 s14, $0x4;
	[dreg:$0xf] =	wrdreg s23;
	s6 =	sadd.s32 s1, s25  }
0x10: {  	s19 =	sshrl.u32 s7, $0x3;
	s5 =	sadd.s32 s17, s5;
	[dreg:$0x10] =	wrdreg s6  }
0x11: {  	[dreg:$0x11] =	wrdreg s5;
	s6 =	sshll.u32 s26, $0x4;
	s26 =	sadd.s32 $0x138000, s3  }
0x12: {  	s23 =	smul.u32 $0x2710, s2;
	s5 =	sadd.s32 s1, s6;
	[dreg:$0x1b] =	wrdreg s26  }
0x13: {  	s6 =	sshrl.u32 s10, $0x3;
	[dreg:$0x12] =	wrdreg s5;
	s5 =	sadd.s32 s17, s8  }
0x14: {  	s25 =	smul.u32 $0x4E200, s12;
	s13 =	sadd.s32 s17, s6;
	[dreg:$0x13] =	wrdreg s5  }
0x15: {  	s10 =	sshll.u32 s7, $0x4;
	s6 =	sadd.s32 s1, s15;
	[dreg:$0x15] =	wrdreg s13  }
0x16: {  	s2 =	smul.u32 $0x27100, s2;
	s18 =	sadd.s32 s1, s10;
	[dreg:$0x16] =	wrdreg s6  }
0x17: {  	s8 =	sshrl.u32 s16, $0x3;
	s5 =	sadd.s32 s1, s11;
	[dreg:$0x18] =	wrdreg s18  }
0x18: {  	s8 =	sadd.s32 s9, s8;
	s6 =	sadd.s32 s23, s21;
	s1 =	sadd.s32 s25, s1  }
0x19: {  	[dreg:$0x14] =	wrdreg s5;
	s5 =	sshrl.u32 s14, $0x3;
	s26 =	sadd.s32 $0x24900, s8  }
0x1a: {  	s10 =	sadd.s32 $0x168, s6;
	s5 =	sadd.s32 s17, s5;
	[dreg:$0x1d] =	wrdreg s26  }
0x1b: {  	s14 =	sadd.s32 $0x190, s6;
	s13 =	sshrl.u32 s10, $0x3;
	[dreg:$0x17] =	wrdreg s5  }
0x1c: {  	s25 =	sadd.s32 $0xF0, s6;
	s15 =	sshrl.u32 s14, $0x3;
	[dreg:$0x5] =	wrdreg s13  }
0x1d: {  	s11 =	smul.u32 $0x13800, s12;
	s8 =	sshrl.u32 s25, $0x3;
	[dreg:$0x6] =	wrdreg s15  }
0x1e: {  	s7 =	sadd.s32 s2, s1;
	s10 =	simm.s32 $0xA300;
	[dreg:$0xb] =	wrdreg s8  }
0x1f: {  	s2 =	sadd.s32 $0x124800, s3;
	s14 =	sadd.s32 $0x140, s6;
	[dreg:$0xd] =	wrdreg s10  }
0x20: {  	s20 =	sadd.s32 s11, s16;
	s0 =	sshrl.u32 @p0 s2, $0x3;
	[smem:$0x7F1] =	sst s14  }
0x21: {  	s16 =	sadd.s32 $0x1B8, s6;
	s5 =	sadd.s32 s17, s19;
	[smem:$0x7F2] =	sst s0  }
0x22: {  	s22 =	sshrl.u32 s20, $0x3;
	s18 =	sshrl.u32 s16, $0x3;
	[dreg:$0x19] =	wrdreg s5  }
0x23: {  	s19 =	sadd.s32 $0x1E0, s6;
	s5 =	sadd.s32 s9, s22;
	[dreg:$0x7] =	wrdreg s18  }
0x24: {  	s21 =	sadd.s32 $0x208, s6;
	s20 =	sshrl.u32 s19, $0x3;
	[dreg:$0x1a] =	wrdreg s5  }
0x25: {  	s24 =	smul.u32 $0x4E000, s12;
	s22 =	sshrl.u32 s21, $0x3;
	[dreg:$0x8] =	wrdreg s20  }
0x26: {  	s23 =	sadd.s32 $0x118, s6;
	s9 =	simm.s32 $0x7800;
	[dreg:$0x9] =	wrdreg s22  }
0x27: {  	s5 =	sshrl.u32 s24, $0x2;
	s24 =	sshrl.u32 s23, $0x3;
	[dreg:$0xc] =	wrdreg s9  }
0x28: {  	s11 =	sadd.s32 s5, s3;
	[dreg:$0xa] =	wrdreg s24  }
0x29: {  	s13 =	sadd.s32 $0x1800, s11;
	[dreg:$0x1c] =	wrdreg s11  }
0x2a: {  	s15 =	sadd.s32 $0x3000, s11;
	[dreg:$0x1f] =	wrdreg s13  }
0x2b: {  	s28 =	simm.s32 $0x2800;
	s16 =	sadd.s32 $0x4800, s11;
	[smem:$0x7F3] =	sst s15  }
0x2c: {  	s29 =	simm.s32 $0xA100;
	s18 =	sadd.s32 $0x6000, s11;
	[smem:$0x7F4] =	sst s16  }
0x2d: {  	s30 =	simm.s32 $0x1;
	s19 =	sadd.s32 $0x7800, s11;
	[smem:$0x7F5] =	sst s18  }
0x2e: {  	s31 =	simm.s32 $0x9;
	s20 =	sadd.s32 $0x9000, s11;
	[smem:$0x7F6] =	sst s19  }
0x2f: {  	p1 =	sne.s32 s12, $0xF;
	s21 =	sadd.s32 $0xA800, s11;
	[smem:$0x7F7] =	sst s20  }
0x30: {  	s12 =	simm.s32 $0xA280;
	s22 =	sadd.s32 $0xC000, s11;
	[smem:$0x7F8] =	sst s21  }
0x31: {  	s2 =	simm.s32 $0x2;
	s23 =	sadd.s32 $0xD800, s11;
	[smem:$0x7F9] =	sst s22  }
0x32: {  	s14 =	simm.s32 $0xA180;
	s24 =	sadd.s32 $0xF000, s11;
	[smem:$0x7FA] =	sst s23  }
0x33: {  	s10 =	simm.s32 $0x6400;
	s25 =	sadd.s32 $0x10800, s11;
	[smem:$0x7FB] =	sst s24  }
0x34: {  	s0 =	simm.s32 $0xA;
	s26 =	sadd.s32 $0x12000, s11;
	[smem:$0x7FC] =	sst s25  }
0x35: {  	s6 =	simm.s32 $0x11;
	s8 =	simm.s32 $0x0;
	[smem:$0x7FD] =	sst s26  }
0x36: {  	s22 =	simm.s32 $0xA000;
	s23 =	simm.s32 $0x1400;
	s26 =	simm.s32 $0xA080  }
0x37: {  	s13 =	simm.s32 $0x3C00;
	s15 =	simm.s32 $0x1;
	s16 =	simm.s32 $0x9  }
0x38: {  	s25 =	simm.s32 $0x28;
	s21 =	simm.s32 $0x8C00;
	s24 =	simm.s32 $0x4  }
0x39: {  	v0 =	vimm.f32 $0.0e+00;
	s19 =	simm.s32 $0xC;
	s18 =	simm.s32 $0x6;
	s20 =	simm.s32 $0xE  }
.LBB2_1:
0x3a: {  	[smem:$0x7F0] =	sst s8  }
0x3b: {  	s1 =	rddreg [dreg:$0xe]  }
0x3c: {  	[tilespmem:s4], [sflag:$0x1] =	stream.linear.gather [hbm4b:s1+s4], $0x1400, $0x38;
	[tilespmem:$0x1F480] =	vst v63  }
0x3d: {  	s5 =	rddreg [dreg:$0xf]  }
0x3e: {  	[tilespmem:s22], [sflag:$0x9] =	stream.linear.gather [hbm4b:s5+s4], $0x28, $0x38;
	[tilespmem:$0x1F480] =	vst v63  }
0x3f: {  	s8 =	rddreg [dreg:$0x10]  }
0x40: {  	[tilespmem:s23], [sflag:$0x2] =	stream.linear.gather [hbm4b:s8+s4], $0x1400, $0x38;
	[tilespmem:$0x1F480] =	vst v63  }
0x41: {  	s9 =	rddreg [dreg:$0x11]  }
0x42: {  	[tilespmem:s26], [sflag:$0xA] =	stream.linear.gather [hbm4b:s9+s4], $0x28, $0x38;
	[tilespmem:$0x1F480] =	vst v63  }
0x43: {  	s5 =	rddreg [dreg:$0x12]  }
0x44: {  	[tilespmem:s28], [sflag:$0x3] =	stream.linear.gather [hbm4b:s5+s4], $0x1400, $0x38;
	[tilespmem:$0x1F480] =	vst v63  }
0x45: {  	s8 =	rddreg [dreg:$0x13]  }
0x46: {  	[tilespmem:s29], [sflag:$0xB] =	stream.linear.gather [hbm4b:s8+s4], $0x28, $0x38;
	[tilespmem:$0x1F480] =	vst v63  }
0x47: {  	s9 =	rddreg [dreg:$0x14]  }
0x48: {  	[tilespmem:s13], [sflag:$0x4] =	stream.linear.gather [hbm4b:s9+s4], $0x1400, $0x38;
	[tilespmem:$0x1F480] =	vst v63  }
0x49: {  	s5 =	rddreg [dreg:$0x15]  }
0x4a: {  	[tilespmem:s14], [sflag:$0xC] =	stream.linear.gather [hbm4b:s5+s4], $0x28, $0x38;
	[tilespmem:$0x1F480] =	vst v63  }
0x4b: {  	s8 =	rddreg [dreg:$0x16];
	s9 =	simm.s32 $0x5000  }
0x4c: {  	[tilespmem:s9], [sflag:$0x5] =	stream.linear.gather [hbm4b:s8+s4], $0x1400, $0x38;
	[tilespmem:$0x1F480] =	vst v63  }
0x4d: {  	s5 =	rddreg [dreg:$0x17];
	s8 =	simm.s32 $0xA200  }
0x4e: {  	[tilespmem:s8], [sflag:$0xD] =	stream.linear.gather [hbm4b:s5+s4], $0x28, $0x38;
	[tilespmem:$0x1F480] =	vst v63  }
0x4f: {  	s9 =	rddreg [dreg:$0x18]  }
0x50: {  	[tilespmem:s10], [sflag:$0x6] =	stream.linear.gather [hbm4b:s9+s4], $0x1400, $0x38;
	[tilespmem:$0x1F480] =	vst v63  }
0x51: {  	s1 =	simm.s32 $0x0;
	s10 =	rddreg [dreg:$0x19];
	s9 =	simm.s32 $0x200  }
0x52: {  	[tilespmem:s12], [sflag:$0xE] =	stream.linear.gather [hbm4b:s10+s4], $0x28, $0x38;
	[tilespmem:$0x1F480] =	vst v63  }
.LBB2_2:
0x53: {  	p2 =	sne.s32 s9, $0x5E00;
	[tilespmem:s1+$0xA470] =	vst v0  }
0x54: {  	[tilespmem:s1+$0xA400] =	vst v0  }
0x55: {  	[tilespmem:s1+$0xA410] =	vst v0  }
.Ltmp0:
0x56: {  	[tilespmem:s1+$0xA420] =	vst v0;
	(pc) =	sbr.rel @p2 .LBB2_2-.Ltmp0, $4  }
0x57: {  	[tilespmem:s1+$0xA430] =	vst v0  }
0x58: {  	[tilespmem:s1+$0xA440] =	vst v0  }
0x59: {  	[tilespmem:s1+$0xA450] =	vst v0  }
0x5a: {  	[tilespmem:s1+$0xA460] =	vst v0;
	s1 =	sshra.s32 s9, $0x2;
	s9 =	sadd.s32 $0x200, s9  }
0x5b: {  	[tilespmem:s1+$0xA470] =	vst v0  }
0x5c: {  	[tilespmem:s1+$0xA400] =	vst v0  }
0x5d: {  	[tilespmem:s1+$0xA410] =	vst v0  }
0x5e: {  	[tilespmem:s1+$0xA420] =	vst v0  }
0x5f: {  	[tilespmem:s1+$0xA430] =	vst v0  }
0x60: {  	[tilespmem:s1+$0xA440] =	vst v0  }
0x61: {  	[tilespmem:s1+$0xA450] =	vst v0  }
0x62: {  	[tilespmem:s1+$0xA460] =	vst v0;
	s9 =	simm.s32 $0xA400;
	s10 =	simm.s32 $0x19  }
0x63: {  	[spmem:s11] =	stream.linear.scatter [tilespmem:s9], [sflag:$0x19], $0x1800, $0x38;
	[tilespmem:$0x1F480] =	vst v63  }
0x64: {  	_ =	swait.ge [sflag:s10], $0x1800  }
0x65: {  	[sflag:s10] =	ssyncset.done $0x0  }
0x66: {  	s11 =	rddreg [dreg:$0x1f];
	[sflag:s10] =	ssyncadd.s32 $0xFFFFE800  }
0x67: {  	[spmem:s11] =	stream.linear.scatter [tilespmem:s9], [sflag:$0x19], $0x1800, $0x38;
	[tilespmem:$0x1F480] =	vst v63  }
0x68: {  	_ =	swait.ge [sflag:s10], $0x1800  }
0x69: {  	s12 =	sld [smem:$0x7F3]  }
0x6a: {  	[sflag:s10] =	ssyncset.done $0x0  }
0x6b: {  	[sflag:s10] =	ssyncadd.s32 $0xFFFFE800  }
0x6c: {  	[spmem:s12] =	stream.linear.scatter [tilespmem:s9], [sflag:$0x19], $0x1800, $0x38;
	[tilespmem:$0x1F480] =	vst v63  }
0x6d: {  	_ =	swait.ge [sflag:s10], $0x1800  }
0x6e: {  	s5 =	sld [smem:$0x7F4]  }
0x6f: {  	[sflag:s10] =	ssyncset.done $0x0  }
0x70: {  	[sflag:s10] =	ssyncadd.s32 $0xFFFFE800  }
0x71: {  	[spmem:s5] =	stream.linear.scatter [tilespmem:s9], [sflag:$0x19], $0x1800, $0x38;
	[tilespmem:$0x1F480] =	vst v63  }
0x72: {  	_ =	swait.ge [sflag:s10], $0x1800  }
0x73: {  	s8 =	sld [smem:$0x7F5]  }
0x74: {  	[sflag:s10] =	ssyncset.done $0x0  }
0x75: {  	[sflag:s10] =	ssyncadd.s32 $0xFFFFE800  }
0x76: {  	[spmem:s8] =	stream.linear.scatter [tilespmem:s9], [sflag:$0x19], $0x1800, $0x38;
	[tilespmem:$0x1F480] =	vst v63  }
0x77: {  	_ =	swait.ge [sflag:s10], $0x1800  }
0x78: {  	s11 =	sld [smem:$0x7F6]  }
0x79: {  	[sflag:s10] =	ssyncset.done $0x0  }
0x7a: {  	[sflag:s10] =	ssyncadd.s32 $0xFFFFE800  }
0x7b: {  	[spmem:s11] =	stream.linear.scatter [tilespmem:s9], [sflag:$0x19], $0x1800, $0x38;
	[tilespmem:$0x1F480] =	vst v63  }
0x7c: {  	_ =	swait.ge [sflag:s10], $0x1800  }
0x7d: {  	s12 =	sld [smem:$0x7F7]  }
0x7e: {  	[sflag:s10] =	ssyncset.done $0x0  }
0x7f: {  	[sflag:s10] =	ssyncadd.s32 $0xFFFFE800  }
0x80: {  	[spmem:s12] =	stream.linear.scatter [tilespmem:s9], [sflag:$0x19], $0x1800, $0x38;
	[tilespmem:$0x1F480] =	vst v63  }
0x81: {  	_ =	swait.ge [sflag:s10], $0x1800  }
0x82: {  	s5 =	sld [smem:$0x7F8]  }
0x83: {  	[sflag:s10] =	ssyncset.done $0x0  }
0x84: {  	[sflag:s10] =	ssyncadd.s32 $0xFFFFE800  }
0x85: {  	[spmem:s5] =	stream.linear.scatter [tilespmem:s9], [sflag:$0x19], $0x1800, $0x38;
	[tilespmem:$0x1F480] =	vst v63  }
0x86: {  	_ =	swait.ge [sflag:s10], $0x1800  }
0x87: {  	s8 =	sld [smem:$0x7F9]  }
0x88: {  	[sflag:s10] =	ssyncset.done $0x0  }
0x89: {  	[sflag:s10] =	ssyncadd.s32 $0xFFFFE800  }
0x8a: {  	[spmem:s8] =	stream.linear.scatter [tilespmem:s9], [sflag:$0x19], $0x1800, $0x38;
	[tilespmem:$0x1F480] =	vst v63  }
0x8b: {  	_ =	swait.ge [sflag:s10], $0x1800  }
0x8c: {  	s11 =	sld [smem:$0x7FA]  }
0x8d: {  	[sflag:s10] =	ssyncset.done $0x0  }
0x8e: {  	[sflag:s10] =	ssyncadd.s32 $0xFFFFE800  }
0x8f: {  	[spmem:s11] =	stream.linear.scatter [tilespmem:s9], [sflag:$0x19], $0x1800, $0x38;
	[tilespmem:$0x1F480] =	vst v63  }
0x90: {  	_ =	swait.ge [sflag:s10], $0x1800  }
0x91: {  	s12 =	sld [smem:$0x7FB]  }
0x92: {  	[sflag:s10] =	ssyncset.done $0x0  }
0x93: {  	[sflag:s10] =	ssyncadd.s32 $0xFFFFE800  }
0x94: {  	[spmem:s12] =	stream.linear.scatter [tilespmem:s9], [sflag:$0x19], $0x1800, $0x38;
	[tilespmem:$0x1F480] =	vst v63  }
0x95: {  	_ =	swait.ge [sflag:s10], $0x1800  }
0x96: {  	s5 =	sld [smem:$0x7FC]  }
0x97: {  	[sflag:s10] =	ssyncset.done $0x0  }
0x98: {  	[sflag:s10] =	ssyncadd.s32 $0xFFFFE800  }
0x99: {  	[spmem:s5] =	stream.linear.scatter [tilespmem:s9], [sflag:$0x19], $0x1800, $0x38;
	[tilespmem:$0x1F480] =	vst v63  }
0x9a: {  	_ =	swait.ge [sflag:s10], $0x1800  }
0x9b: {  	s8 =	sld [smem:$0x7FD]  }
0x9c: {  	[sflag:s10] =	ssyncset.done $0x0  }
0x9d: {  	[sflag:s10] =	ssyncadd.s32 $0xFFFFE800  }
0x9e: {  	[spmem:s8] =	stream.linear.scatter [tilespmem:s9], [sflag:$0x19], $0x1800, $0x38;
	[tilespmem:$0x1F480] =	vst v63  }
0x9f: {  	_ =	swait.ge [sflag:s10], $0x1800  }
0xa0: {  	[sflag:s10] =	ssyncset.done $0x0  }
0xa1: {  	s1 =	simm.s32 @!p1 $0xA400;
	s9 =	rddreg [dreg:$0x1b];
	[sflag:s10] =	ssyncadd.s32 $0xFFFFE800  }
0xa2: {  	[spmem:s9] =	stream.linear.scatter @!p1 [tilespmem:s1], [sflag:$0x19], $0x800, $0x38;
	[tilespmem:$0x1F480] =	vst v63  }
0xa3: {  	s1 =	simm.s32 @!p1 $0x19  }
0xa4: {  	_ =	swait.ge @!p1 [sflag:s1], $0x800  }
0xa5: {  	p2 =	por $0x1, $0x1;
	[sflag:s1] =	ssyncset.done @!p1 $0x0  }
0xa6: {  	p2 =	por p2, p2;
	[sflag:s1] =	ssyncadd.s32 @!p1 $0xFFFFF800  }
0xa7: {  	s1 =	simm.s32 @!p2 $0x17;
	[bflag:$0x0] =	sbarrier.arrive $0xFFFF  }
0xa8: {  	_ =	swait.ge @!p2 [sflag:s1], $0x1400  }
0xa9: {  	s10 =	sadd.s32 $0x0, s7;
	s11 =	rddreg [dreg:$0xc];
	[sflag:s1] =	ssyncset.done @!p2 $0x0  }
0xaa: {  	s8 =	sadd.s32 $0xF00, s10;
	s5 =	rddreg [dreg:$0xb];
	[sflag:s1] =	ssyncadd.s32 @!p2 $0xFFFFEC00  }
0xab: {  	[tilespmem:s11], [sflag:$0x7] =	stream.linear.gather [hbm4b:s8+s4], $0x1400, $0x38;
	[tilespmem:$0x1F480] =	vst v63  }
0xac: {  	s12 =	rddreg [dreg:$0xd];
	s11 =	sadd.s32 s17, s5  }
0xad: {  	[tilespmem:s12], [sflag:$0xF] =	stream.linear.gather [hbm4b:s11+s4], $0x28, $0x38;
	[tilespmem:$0x1F480] =	vst v63  }
0xae: {  	_ =	swait.ge [sflag:s15], $0x1400  }
0xaf: {  	[sflag:s15] =	ssyncset.done $0x0  }
0xb0: {  	[sflag:s15] =	ssyncadd.s32 $0xFFFFEC00  }
0xb1: {  	_ =	swait.ge [sflag:s16], $0x28  }
0xb2: {  	[sflag:s16] =	ssyncset.done $0x0  }
0xb3: {  	s1 =	simm.s32 @!p2 $0x18;
	[sflag:s16] =	ssyncadd.s32 $0xFFFFFFD8  }
0xb4: {  	[spmem:s3] =	stream.indirect.scatter.add.f32 [tilespmem:s4], [sflag:$0x11], $0x80, s22, s25, $0xb8;
	[tilespmem:$0x1F480] =	vst v63  }
0xb5: {  	_ =	swait.ge @!p2 [sflag:s1], $0x1400  }
0xb6: {  	[sflag:s1] =	ssyncset.done @!p2 $0x0  }
0xb7: {  	s16 =	sadd.s32 $0x1180, s10;
	s15 =	rddreg [dreg:$0xa];
	[sflag:s1] =	ssyncadd.s32 @!p2 $0xFFFFEC00  }
0xb8: {  	[tilespmem:s21], [sflag:$0x8] =	stream.linear.gather [hbm4b:s16+s4], $0x1400, $0x38;
	[tilespmem:$0x1F480] =	vst v63  }
0xb9: {  	s5 =	simm.s32 $0xA380;
	s21 =	sadd.s32 s17, s15  }
0xba: {  	[tilespmem:s5], [sflag:$0x10] =	stream.linear.gather [hbm4b:s21+s4], $0x28, $0x38;
	[tilespmem:$0x1F480] =	vst v63  }
0xbb: {  	_ =	swait.ge [sflag:s2], $0x1400  }
0xbc: {  	[sflag:s2] =	ssyncset.done $0x0  }
0xbd: {  	[sflag:s2] =	ssyncadd.s32 $0xFFFFEC00  }
0xbe: {  	_ =	swait.ge [sflag:s0], $0x28  }
0xbf: {  	[sflag:s0] =	ssyncset.done $0x0  }
0xc0: {  	[sflag:s0] =	ssyncadd.s32 $0xFFFFFFD8  }
0xc1: {  	[spmem:s3] =	stream.indirect.scatter.add.f32 [tilespmem:s23], [sflag:$0x12], $0x80, s26, s25, $0xb8;
	[tilespmem:$0x1F480] =	vst v63  }
0xc2: {  	_ =	swait.ge [sflag:s6], $0x1400  }
0xc3: {  	[sflag:s6] =	ssyncset.done $0x0;
	s21 =	sld [smem:$0x7F1]  }
0xc4: {  	s5 =	sadd.s32 $0x1400, s10;
	[sflag:s6] =	ssyncadd.s32 $0xFFFFEC00  }
0xc5: {  	[tilespmem:s4], [sflag:$0x1] =	stream.linear.gather [hbm4b:s5+s4], $0x1400, $0x38;
	[tilespmem:$0x1F480] =	vst v63  }
0xc6: {  	s6 =	sshrl.u32 s21, $0x3  }
0xc7: {  	s8 =	sadd.s32 s17, s6;
	s6 =	simm.s32 $0x3  }
0xc8: {  	[tilespmem:s22], [sflag:$0x9] =	stream.linear.gather [hbm4b:s8+s4], $0x28, $0x38;
	[tilespmem:$0x1F480] =	vst v63  }
0xc9: {  	_ =	swait.ge [sflag:s6], $0x1400  }
0xca: {  	[sflag:s6] =	ssyncset.done $0x0  }
0xcb: {  	s5 =	smov.u32 s7;
	s7 =	simm.s32 $0xB;
	[sflag:s6] =	ssyncadd.s32 $0xFFFFEC00  }
0xcc: {  	_ =	swait.ge [sflag:s7], $0x28  }
0xcd: {  	[sflag:s7] =	ssyncset.done $0x0  }
0xce: {  	s9 =	simm.s32 $0x12;
	[sflag:s7] =	ssyncadd.s32 $0xFFFFFFD8  }
0xcf: {  	[spmem:s3] =	stream.indirect.scatter.add.f32 [tilespmem:s28], [sflag:$0x13], $0x80, s29, s25, $0xb8;
	[tilespmem:$0x1F480] =	vst v63  }
0xd0: {  	_ =	swait.ge [sflag:s9], $0x1400  }
0xd1: {  	[sflag:s9] =	ssyncset.done $0x0  }
0xd2: {  	s12 =	sadd.s32 $0x1680, s10;
	s11 =	rddreg [dreg:$0x5];
	[sflag:s9] =	ssyncadd.s32 $0xFFFFEC00  }
0xd3: {  	[tilespmem:s23], [sflag:$0x2] =	stream.linear.gather [hbm4b:s12+s4], $0x1400, $0x38;
	[tilespmem:$0x1F480] =	vst v63  }
0xd4: {  	s1 =	sadd.s32 s17, s11  }
0xd5: {  	[tilespmem:s26], [sflag:$0xA] =	stream.linear.gather [hbm4b:s1+s4], $0x28, $0x38;
	[tilespmem:$0x1F480] =	vst v63  }
0xd6: {  	_ =	swait.ge [sflag:s24], $0x1400  }
0xd7: {  	[sflag:s24] =	ssyncset.done $0x0  }
0xd8: {  	[sflag:s24] =	ssyncadd.s32 $0xFFFFEC00  }
0xd9: {  	_ =	swait.ge [sflag:s19], $0x28  }
0xda: {  	p2 =	por $0x0, $0x0;
	[sflag:s19] =	ssyncset.done $0x0  }
0xdb: {  	s1 =	simm.s32 @p2 $0x5;
	[sflag:s19] =	ssyncadd.s32 $0xFFFFFFD8  }
0xdc: {  	[spmem:s3] =	stream.indirect.scatter.add.f32 [tilespmem:s13], [sflag:$0x14], $0x80, s14, s25, $0xb8;
	[tilespmem:$0x1F480] =	vst v63  }
0xdd: {  	_ =	swait.ge @p2 [sflag:s1], $0x1400  }
0xde: {  	[sflag:s1] =	ssyncset.done @p2 $0x0  }
0xdf: {  	s9 =	simm.s32 @p2 $0xD;
	[sflag:s1] =	ssyncadd.s32 @p2 $0xFFFFEC00  }
0xe0: {  	_ =	swait.ge @p2 [sflag:s9], $0x28  }
0xe1: {  	s10 =	simm.s32 @p2 $0x28;
	s11 =	simm.s32 @p2 $0xA200;
	[sflag:s9] =	ssyncset.done @p2 $0x0  }
0xe2: {  	s12 =	simm.s32 @!p2 $0x13;
	s1 =	simm.s32 @p2 $0x5000;
	[sflag:s9] =	ssyncadd.s32 @p2 $0xFFFFFFD8  }
0xe3: {  	[spmem:s3] =	stream.indirect.scatter.add.f32 @p2 [tilespmem:s1], [sflag:$0x15], $0x80, s11, s10, $0xb8;
	[tilespmem:$0x1F480] =	vst v63  }
0xe4: {  	s14 =	simm.s32 @!p2 $0x2800;
	_ =	swait.ge @!p2 [sflag:s12], $0x1400  }
0xe5: {  	s9 =	simm.s32 @!p2 $0x0;
	s1 =	sadd.s32 @!p2 $0x0, s5;
	[sflag:s12] =	ssyncset.done @!p2 $0x0  }
0xe6: {  	s11 =	sadd.s32 @!p2 $0x1900, s1;
	s13 =	rddreg [dreg:$0x6];
	[sflag:s12] =	ssyncadd.s32 @!p2 $0xFFFFEC00  }
0xe7: {  	[tilespmem:s14], [sflag:$0x3] =	stream.linear.gather @!p2 [hbm4b:s11+s9], $0x1400, $0x38;
	[tilespmem:$0x1F480] =	vst v63  }
0xe8: {  	s12 =	sadd.s32 @!p2 s17, s13;
	s13 =	simm.s32 @!p2 $0x5;
	s11 =	simm.s32 @!p2 $0xA100  }
0xe9: {  	[tilespmem:s11], [sflag:$0xB] =	stream.linear.gather @!p2 [hbm4b:s12+s9], $0x28, $0x38;
	[tilespmem:$0x1F480] =	vst v63  }
0xea: {  	_ =	swait.ge @!p2 [sflag:s13], $0x1400  }
0xeb: {  	[sflag:s13] =	ssyncset.done @!p2 $0x0  }
0xec: {  	s11 =	simm.s32 @!p2 $0xD;
	[sflag:s13] =	ssyncadd.s32 @!p2 $0xFFFFEC00  }
0xed: {  	_ =	swait.ge @!p2 [sflag:s11], $0x28  }
0xee: {  	s14 =	simm.s32 @!p2 $0xA200;
	s12 =	simm.s32 @!p2 $0x5000;
	[sflag:s11] =	ssyncset.done @!p2 $0x0  }
0xef: {  	s13 =	simm.s32 @!p2 $0x28;
	[sflag:s11] =	ssyncadd.s32 @!p2 $0xFFFFFFD8;
	s11 =	simm.s32 @!p2 $0x14  }
0xf0: {  	[spmem:s3] =	stream.indirect.scatter.add.f32 @!p2 [tilespmem:s12], [sflag:$0x15], $0x80, s14, s13, $0xb8;
	[tilespmem:$0x1F480] =	vst v63  }
0xf1: {  	_ =	swait.ge @!p2 [sflag:s11], $0x1400  }
0xf2: {  	s16 =	sadd.s32 @!p2 $0x1B80, s1;
	[sflag:s11] =	ssyncset.done @!p2 $0x0  }
0xf3: {  	s15 =	rddreg [dreg:$0x7];
	[sflag:s11] =	ssyncadd.s32 @!p2 $0xFFFFEC00;
	s11 =	simm.s32 @!p2 $0x3C00  }
0xf4: {  	[tilespmem:s11], [sflag:$0x4] =	stream.linear.gather @!p2 [hbm4b:s16+s9], $0x1400, $0x38;
	[tilespmem:$0x1F480] =	vst v63  }
0xf5: {  	s15 =	sadd.s32 @!p2 s17, s15;
	s11 =	simm.s32 @!p2 $0xA180  }
0xf6: {  	[tilespmem:s11], [sflag:$0xC] =	stream.linear.gather @!p2 [hbm4b:s15+s9], $0x28, $0x38;
	[tilespmem:$0x1F480] =	vst v63  }
0xf7: {  	_ =	swait.ge [sflag:s18], $0x1400  }
0xf8: {  	[sflag:s18] =	ssyncset.done $0x0  }
0xf9: {  	[sflag:s18] =	ssyncadd.s32 $0xFFFFEC00  }
0xfa: {  	_ =	swait.ge [sflag:s20], $0x28  }
0xfb: {  	s16 =	simm.s32 $0xA280;
	[sflag:s20] =	ssyncset.done $0x0  }
0xfc: {  	s11 =	simm.s32 @p2 $0x7;
	s15 =	simm.s32 $0x6400;
	[sflag:s20] =	ssyncadd.s32 $0xFFFFFFD8  }
0xfd: {  	[spmem:s3] =	stream.indirect.scatter.add.f32 [tilespmem:s15], [sflag:$0x16], $0x80, s16, s25, $0xb8;
	[tilespmem:$0x1F480] =	vst v63  }
0xfe: {  	_ =	swait.ge @p2 [sflag:s11], $0x1400  }
0xff: {  	[sflag:s11] =	ssyncset.done @p2 $0x0  }
0x100: {  	s15 =	simm.s32 @p2 $0xF;
	[sflag:s11] =	ssyncadd.s32 @p2 $0xFFFFEC00  }
0x101: {  	_ =	swait.ge @p2 [sflag:s15], $0x28  }
0x102: {  	[sflag:s15] =	ssyncset.done @p2 $0x0  }
0x103: {  	s11 =	simm.s32 @p2 $0xA300;
	[sflag:s15] =	ssyncadd.s32 @p2 $0xFFFFFFD8;
	s15 =	simm.s32 @p2 $0x7800  }
0x104: {  	[spmem:s3] =	stream.indirect.scatter.add.f32 @p2 [tilespmem:s15], [sflag:$0x17], $0x80, s11, s10, $0xb8;
	[tilespmem:$0x1F480] =	vst v63  }
0x105: {  	s10 =	simm.s32 @!p2 $0x15  }
0x106: {  	_ =	swait.ge @!p2 [sflag:s10], $0x1400  }
0x107: {  	[sflag:s10] =	ssyncset.done @!p2 $0x0  }
0x108: {  	s11 =	rddreg [dreg:$0x8];
	[sflag:s10] =	ssyncadd.s32 @!p2 $0xFFFFEC00;
	s10 =	sadd.s32 @!p2 $0x1E00, s1  }
0x109: {  	[tilespmem:s12], [sflag:$0x5] =	stream.linear.gather @!p2 [hbm4b:s10+s9], $0x1400, $0x38;
	[tilespmem:$0x1F480] =	vst v63  }
0x10a: {  	s10 =	sadd.s32 @!p2 s17, s11  }
0x10b: {  	[tilespmem:s14], [sflag:$0xD] =	stream.linear.gather @!p2 [hbm4b:s10+s9], $0x28, $0x38;
	[tilespmem:$0x1F480] =	vst v63  }
0x10c: {  	s10 =	simm.s32 @!p2 $0x7  }
0x10d: {  	_ =	swait.ge @!p2 [sflag:s10], $0x1400  }
0x10e: {  	[sflag:s10] =	ssyncset.done @!p2 $0x0  }
0x10f: {  	s11 =	simm.s32 @!p2 $0xF;
	[sflag:s10] =	ssyncadd.s32 @!p2 $0xFFFFEC00  }
0x110: {  	_ =	swait.ge @!p2 [sflag:s11], $0x28  }
0x111: {  	[sflag:s11] =	ssyncset.done @!p2 $0x0  }
0x112: {  	s10 =	simm.s32 @!p2 $0xA300;
	[sflag:s11] =	ssyncadd.s32 @!p2 $0xFFFFFFD8;
	s11 =	simm.s32 @!p2 $0x7800  }
0x113: {  	[spmem:s3] =	stream.indirect.scatter.add.f32 @!p2 [tilespmem:s11], [sflag:$0x17], $0x80, s10, s13, $0xb8;
	[tilespmem:$0x1F480] =	vst v63  }
0x114: {  	s10 =	simm.s32 @!p2 $0x16  }
0x115: {  	_ =	swait.ge @!p2 [sflag:s10], $0x1400  }
0x116: {  	s1 =	sadd.s32 @!p2 $0x2080, s1;
	[sflag:s10] =	ssyncset.done @!p2 $0x0  }
0x117: {  	s11 =	rddreg [dreg:$0x9];
	[sflag:s10] =	ssyncadd.s32 @!p2 $0xFFFFEC00;
	s10 =	simm.s32 @!p2 $0x6400  }
0x118: {  	[tilespmem:s10], [sflag:$0x6] =	stream.linear.gather @!p2 [hbm4b:s1+s9], $0x1400, $0x38;
	[tilespmem:$0x1F480] =	vst v63  }
0x119: {  	s0 =	simm.s32 $0x8;
	s1 =	simm.s32 @!p2 $0xA280;
	s10 =	sadd.s32 @!p2 s17, s11  }
0x11a: {  	[tilespmem:s1], [sflag:$0xE] =	stream.linear.gather @!p2 [hbm4b:s10+s9], $0x28, $0x38;
	[tilespmem:$0x1F480] =	vst v63  }
0x11b: {  	_ =	swait.ge [sflag:s0], $0x1400  }
0x11c: {  	p6 =	por $0x0, $0x0;
	[sflag:s0] =	ssyncset.done $0x0  }
0x11d: {  	s12 =	sadd.s32 $0x140, s21;
	s10 =	simm.s32 $0x10;
	[sflag:s0] =	ssyncadd.s32 $0xFFFFEC00  }
0x11e: {  	s21 =	sadd.s32 $0x28, s17;
	s13 =	simm.s32 $0x2800;
	_ =	swait.ge [sflag:s10], $0x28  }
0x11f: {  	s1 =	simm.s32 $0x1400;
	p2 =	por p6, p6;
	[sflag:s10] =	ssyncset.done $0x0  }
.LBB2_4:
0x120: {  	s9 =	simm.s32 @!p2 $0x17  }
0x121: {  	[sflag:s10] =	ssyncadd.s32 $0xFFFFFFD8;
	s2 =	simm.s32 $0xA380;
	s8 =	simm.s32 $0x8C00  }
0x122: {  	[spmem:s3] =	stream.indirect.scatter.add.f32 [tilespmem:s8], [sflag:$0x18], $0x80, s2, s25, $0xb8;
	[tilespmem:$0x1F480] =	vst v63  }
0x123: {  	_ =	swait.ge @!p2 [sflag:s9], $0x1400  }
0x124: {  	s15 =	sadd.s32 s1, s5;
	[sflag:s9] =	ssyncset.done @!p2 $0x0;
	s10 =	rddreg [dreg:$0xc]  }
0x125: {  	s11 =	sadd.s32 $0xF00, s15;
	[sflag:s9] =	ssyncadd.s32 @!p2 $0xFFFFEC00;
	s9 =	rddreg [dreg:$0xb]  }
0x126: {  	[tilespmem:s10], [sflag:$0x7] =	stream.linear.gather [hbm4b:s11+s4], $0x1400, $0x38;
	[tilespmem:$0x1F480] =	vst v63  }
0x127: {  	s16 =	rddreg [dreg:$0xd];
	s9 =	sadd.s32 s21, s9  }
0x128: {  	[tilespmem:s16], [sflag:$0xF] =	stream.linear.gather [hbm4b:s9+s4], $0x28, $0x38;
	[tilespmem:$0x1F480] =	vst v63  }
0x129: {  	_ =	swait.ge [sflag:s30], $0x1400  }
0x12a: {  	[sflag:s30] =	ssyncset.done $0x0  }
0x12b: {  	[sflag:s30] =	ssyncadd.s32 $0xFFFFEC00  }
0x12c: {  	_ =	swait.ge [sflag:s31], $0x28  }
0x12d: {  	[sflag:s31] =	ssyncset.done $0x0  }
0x12e: {  	s9 =	simm.s32 @!p2 $0x18;
	[sflag:s31] =	ssyncadd.s32 $0xFFFFFFD8  }
0x12f: {  	[spmem:s3] =	stream.indirect.scatter.add.f32 [tilespmem:s4], [sflag:$0x11], $0x80, s22, s25, $0xb8;
	[tilespmem:$0x1F480] =	vst v63  }
0x130: {  	_ =	swait.ge @!p2 [sflag:s9], $0x1400  }
0x131: {  	[sflag:s9] =	ssyncset.done @!p2 $0x0  }
0x132: {  	s16 =	sadd.s32 $0x1180, s15;
	s11 =	rddreg [dreg:$0xa];
	[sflag:s9] =	ssyncadd.s32 @!p2 $0xFFFFEC00  }
0x133: {  	[tilespmem:s8], [sflag:$0x8] =	stream.linear.gather [hbm4b:s16+s4], $0x1400, $0x38;
	[tilespmem:$0x1F480] =	vst v63  }
0x134: {  	s9 =	simm.s32 $0x2;
	s8 =	sadd.s32 s21, s11  }
0x135: {  	[tilespmem:s2], [sflag:$0x10] =	stream.linear.gather [hbm4b:s8+s4], $0x28, $0x38;
	[tilespmem:$0x1F480] =	vst v63  }
0x136: {  	_ =	swait.ge [sflag:s9], $0x1400  }
0x137: {  	[sflag:s9] =	ssyncset.done $0x0  }
0x138: {  	s10 =	simm.s32 $0xA;
	[sflag:s9] =	ssyncadd.s32 $0xFFFFEC00  }
0x139: {  	_ =	swait.ge [sflag:s10], $0x28  }
0x13a: {  	[sflag:s10] =	ssyncset.done $0x0  }
0x13b: {  	s11 =	simm.s32 $0x11;
	[sflag:s10] =	ssyncadd.s32 $0xFFFFFFD8  }
0x13c: {  	[spmem:s3] =	stream.indirect.scatter.add.f32 [tilespmem:s23], [sflag:$0x12], $0x80, s26, s25, $0xb8;
	[tilespmem:$0x1F480] =	vst v63  }
0x13d: {  	_ =	swait.ge [sflag:s11], $0x1400  }
0x13e: {  	[sflag:s11] =	ssyncset.done $0x0  }
0x13f: {  	s16 =	sadd.s32 $0x1400, s15;
	s2 =	sshrl.u32 s12, $0x3;
	[sflag:s11] =	ssyncadd.s32 $0xFFFFEC00  }
0x140: {  	[tilespmem:s4], [sflag:$0x1] =	stream.linear.gather [hbm4b:s16+s4], $0x1400, $0x38;
	[tilespmem:$0x1F480] =	vst v63  }
0x141: {  	s8 =	sadd.s32 s17, s2  }
0x142: {  	[tilespmem:s22], [sflag:$0x9] =	stream.linear.gather [hbm4b:s8+s4], $0x28, $0x38;
	[tilespmem:$0x1F480] =	vst v63  }
0x143: {  	_ =	swait.ge [sflag:s6], $0x1400  }
0x144: {  	[sflag:s6] =	ssyncset.done $0x0  }
0x145: {  	[sflag:s6] =	ssyncadd.s32 $0xFFFFEC00  }
0x146: {  	_ =	swait.ge [sflag:s7], $0x28  }
0x147: {  	[sflag:s7] =	ssyncset.done $0x0  }
0x148: {  	s10 =	simm.s32 $0x12;
	[sflag:s7] =	ssyncadd.s32 $0xFFFFFFD8  }
0x149: {  	[spmem:s3] =	stream.indirect.scatter.add.f32 [tilespmem:s28], [sflag:$0x13], $0x80, s29, s25, $0xb8;
	[tilespmem:$0x1F480] =	vst v63  }
0x14a: {  	_ =	swait.ge [sflag:s10], $0x1400  }
0x14b: {  	[sflag:s10] =	ssyncset.done $0x0  }
0x14c: {  	s15 =	sadd.s32 $0x1680, s15;
	s11 =	rddreg [dreg:$0x5];
	[sflag:s10] =	ssyncadd.s32 $0xFFFFEC00  }
0x14d: {  	[tilespmem:s23], [sflag:$0x2] =	stream.linear.gather [hbm4b:s15+s4], $0x1400, $0x38;
	[tilespmem:$0x1F480] =	vst v63  }
0x14e: {  	s9 =	sadd.s32 s21, s11  }
0x14f: {  	[tilespmem:s26], [sflag:$0xA] =	stream.linear.gather [hbm4b:s9+s4], $0x28, $0x38;
	[tilespmem:$0x1F480] =	vst v63  }
0x150: {  	_ =	swait.ge [sflag:s24], $0x1400  }
0x151: {  	[sflag:s24] =	ssyncset.done $0x0  }
0x152: {  	p4 =	seq.s32 s13, $0x0;
	[sflag:s24] =	ssyncadd.s32 $0xFFFFEC00  }
0x153: {  	s14 =	smov.u32 s13;
	p2 =	por p4, p4;
	_ =	swait.ge [sflag:s19], $0x28  }
0x154: {  	p4 =	seq.s32 s1, $0x25800;
	s16 =	simm.s32 $0x3C00;
	[sflag:s19] =	ssyncset.done $0x0  }
0x155: {  	s22 =	simm.s32 $0xA180;
	s9 =	simm.s32 @p4 $0x5;
	[sflag:s19] =	ssyncadd.s32 $0xFFFFFFD8  }
0x156: {  	[spmem:s3] =	stream.indirect.scatter.add.f32 [tilespmem:s16], [sflag:$0x14], $0x80, s22, s25, $0xb8;
	[tilespmem:$0x1F480] =	vst v63  }
0x157: {  	s29 =	smov.u32 s17;
	s17 =	simm.s32 @p4 $0x28;
	_ =	swait.ge @p4 [sflag:s9], $0x1400  }
0x158: {  	s28 =	simm.s32 @!p4 $0x13;
	s10 =	sadd.s32 @!p4 s1, s5;
	[sflag:s9] =	ssyncset.done @p4 $0x0  }
0x159: {  	s1 =	smov.u32 s14;
	s15 =	simm.s32 @p4 $0xD;
	[sflag:s9] =	ssyncadd.s32 @p4 $0xFFFFEC00  }
0x15a: {  	s11 =	sadd.s32 @!p4 $0x1900, s10;
	s14 =	sadd.s32 @!p4 $0x2080, s10;
	_ =	swait.ge @p4 [sflag:s15], $0x28  }
0x15b: {  	s26 =	sadd.s32 @!p4 $0x1B80, s10;
	s16 =	sadd.s32 @!p4 $0x1E00, s10;
	[sflag:s15] =	ssyncset.done @p4 $0x0  }
0x15c: {  	s10 =	simm.s32 @p4 $0xA200;
	s9 =	simm.s32 @p4 $0x5000;
	[sflag:s15] =	ssyncadd.s32 @p4 $0xFFFFFFD8  }
0x15d: {  	[spmem:s3] =	stream.indirect.scatter.add.f32 @p4 [tilespmem:s9], [sflag:$0x15], $0x80, s10, s17, $0xb8;
	[tilespmem:$0x1F480] =	vst v63  }
0x15e: {  	_ =	swait.ge @!p4 [sflag:s28], $0x1400  }
0x15f: {  	s15 =	simm.s32 @!p4 $0x0;
	[sflag:s28] =	ssyncset.done @!p4 $0x0  }
0x160: {  	s9 =	simm.s32 @!p4 $0x2800;
	s10 =	rddreg [dreg:$0x6];
	[sflag:s28] =	ssyncadd.s32 @!p4 $0xFFFFEC00  }
0x161: {  	[tilespmem:s9], [sflag:$0x3] =	stream.linear.gather @!p4 [hbm4b:s11+s15], $0x1400, $0x38;
	[tilespmem:$0x1F480] =	vst v63  }
0x162: {  	s28 =	simm.s32 @!p4 $0xA100;
	s9 =	sadd.s32 @!p4 s21, s10;
	s10 =	simm.s32 @!p4 $0x5  }
0x163: {  	[tilespmem:s28], [sflag:$0xB] =	stream.linear.gather @!p4 [hbm4b:s9+s15], $0x28, $0x38;
	[tilespmem:$0x1F480] =	vst v63  }
0x164: {  	_ =	swait.ge @!p4 [sflag:s10], $0x1400  }
0x165: {  	[sflag:s10] =	ssyncset.done @!p4 $0x0  }
0x166: {  	s28 =	simm.s32 @!p4 $0xD;
	[sflag:s10] =	ssyncadd.s32 @!p4 $0xFFFFEC00  }
0x167: {  	_ =	swait.ge @!p4 [sflag:s28], $0x28  }
0x168: {  	s11 =	simm.s32 @!p4 $0x5000;
	s9 =	simm.s32 @!p4 $0x28;
	[sflag:s28] =	ssyncset.done @!p4 $0x0  }
0x169: {  	s10 =	simm.s32 @!p4 $0xA200;
	[sflag:s28] =	ssyncadd.s32 @!p4 $0xFFFFFFD8;
	s28 =	simm.s32 @!p4 $0x14  }
0x16a: {  	[spmem:s3] =	stream.indirect.scatter.add.f32 @!p4 [tilespmem:s11], [sflag:$0x15], $0x80, s10, s9, $0xb8;
	[tilespmem:$0x1F480] =	vst v63  }
0x16b: {  	_ =	swait.ge @!p4 [sflag:s28], $0x1400  }
0x16c: {  	[sflag:s28] =	ssyncset.done @!p4 $0x0  }
0x16d: {  	s22 =	simm.s32 @!p4 $0x3C00;
	s23 =	rddreg [dreg:$0x7];
	[sflag:s28] =	ssyncadd.s32 @!p4 $0xFFFFEC00  }
0x16e: {  	[tilespmem:s22], [sflag:$0x4] =	stream.linear.gather @!p4 [hbm4b:s26+s15], $0x1400, $0x38;
	[tilespmem:$0x1F480] =	vst v63  }
0x16f: {  	s28 =	simm.s32 @!p4 $0xA180;
	s22 =	sadd.s32 @!p4 s21, s23  }
0x170: {  	[tilespmem:s28], [sflag:$0xC] =	stream.linear.gather @!p4 [hbm4b:s22+s15], $0x28, $0x38;
	[tilespmem:$0x1F480] =	vst v63  }
0x171: {  	_ =	swait.ge [sflag:s18], $0x1400  }
0x172: {  	[sflag:s18] =	ssyncset.done $0x0  }
0x173: {  	[sflag:s18] =	ssyncadd.s32 $0xFFFFEC00  }
0x174: {  	_ =	swait.ge [sflag:s20], $0x28  }
0x175: {  	s23 =	simm.s32 $0x6400;
	[sflag:s20] =	ssyncset.done $0x0  }
0x176: {  	s26 =	simm.s32 $0xA280;
	s22 =	simm.s32 @p4 $0x7;
	[sflag:s20] =	ssyncadd.s32 $0xFFFFFFD8  }
0x177: {  	[spmem:s3] =	stream.indirect.scatter.add.f32 [tilespmem:s23], [sflag:$0x16], $0x80, s26, s25, $0xb8;
	[tilespmem:$0x1F480] =	vst v63  }
0x178: {  	_ =	swait.ge @p4 [sflag:s22], $0x1400  }
0x179: {  	[sflag:s22] =	ssyncset.done @p4 $0x0  }
0x17a: {  	s23 =	simm.s32 @p4 $0xF;
	[sflag:s22] =	ssyncadd.s32 @p4 $0xFFFFEC00  }
0x17b: {  	_ =	swait.ge @p4 [sflag:s23], $0x28  }
0x17c: {  	s26 =	simm.s32 @p4 $0x7800;
	[sflag:s23] =	ssyncset.done @p4 $0x0  }
0x17d: {  	s22 =	simm.s32 @p4 $0xA300;
	[sflag:s23] =	ssyncadd.s32 @p4 $0xFFFFFFD8;
	s23 =	simm.s32 @!p4 $0x15  }
0x17e: {  	[spmem:s3] =	stream.indirect.scatter.add.f32 @p4 [tilespmem:s26], [sflag:$0x17], $0x80, s22, s17, $0xb8;
	[tilespmem:$0x1F480] =	vst v63  }
0x17f: {  	_ =	swait.ge @!p4 [sflag:s23], $0x1400  }
0x180: {  	[sflag:s23] =	ssyncset.done @!p4 $0x0  }
0x181: {  	s17 =	rddreg [dreg:$0x8];
	[sflag:s23] =	ssyncadd.s32 @!p4 $0xFFFFEC00  }
0x182: {  	[tilespmem:s11], [sflag:$0x5] =	stream.linear.gather @!p4 [hbm4b:s16+s15], $0x1400, $0x38;
	[tilespmem:$0x1F480] =	vst v63  }
0x183: {  	s11 =	sadd.s32 @!p4 s21, s17;
	s16 =	simm.s32 @!p4 $0x7  }
0x184: {  	[tilespmem:s10], [sflag:$0xD] =	stream.linear.gather @!p4 [hbm4b:s11+s15], $0x28, $0x38;
	[tilespmem:$0x1F480] =	vst v63  }
0x185: {  	_ =	swait.ge @!p4 [sflag:s16], $0x1400  }
0x186: {  	[sflag:s16] =	ssyncset.done @!p4 $0x0  }
0x187: {  	s10 =	simm.s32 @!p4 $0xF;
	[sflag:s16] =	ssyncadd.s32 @!p4 $0xFFFFEC00  }
0x188: {  	_ =	swait.ge @!p4 [sflag:s10], $0x28  }
0x189: {  	s11 =	simm.s32 @!p4 $0xA300;
	[sflag:s10] =	ssyncset.done @!p4 $0x0  }
0x18a: {  	s16 =	simm.s32 @!p4 $0x7800;
	[sflag:s10] =	ssyncadd.s32 @!p4 $0xFFFFFFD8;
	s10 =	simm.s32 @!p4 $0x16  }
0x18b: {  	[spmem:s3] =	stream.indirect.scatter.add.f32 @!p4 [tilespmem:s16], [sflag:$0x17], $0x80, s11, s9, $0xb8;
	[tilespmem:$0x1F480] =	vst v63  }
0x18c: {  	_ =	swait.ge @!p4 [sflag:s10], $0x1400  }
0x18d: {  	s13 =	sadd.s32 $0x1400, s13;
	[sflag:s10] =	ssyncset.done @!p4 $0x0  }
0x18e: {  	s9 =	simm.s32 @!p4 $0x6400;
	s11 =	rddreg [dreg:$0x9];
	[sflag:s10] =	ssyncadd.s32 @!p4 $0xFFFFEC00  }
0x18f: {  	[tilespmem:s9], [sflag:$0x6] =	stream.linear.gather @!p4 [hbm4b:s14+s15], $0x1400, $0x38;
	[tilespmem:$0x1F480] =	vst v63  }
0x190: {  	p3 =	sne.s32 s13, $0x26C00;
	s10 =	simm.s32 @!p4 $0xA280;
	s9 =	sadd.s32 @!p4 s21, s11  }
0x191: {  	[tilespmem:s10], [sflag:$0xE] =	stream.linear.gather @!p4 [hbm4b:s9+s15], $0x28, $0x38;
	[tilespmem:$0x1F480] =	vst v63  }
.Ltmp1:
0x192: {  	s12 =	sadd.s32 $0x140, s12;
	_ =	swait.ge [sflag:s0], $0x1400;
	(pc) =	sbr.rel @p3 .LBB2_4-.Ltmp1, $4  }
0x193: {  	s28 =	simm.s32 $0x2800;
	s26 =	simm.s32 $0xA080;
	[sflag:s0] =	ssyncset.done $0x0  }
0x194: {  	s22 =	simm.s32 $0xA000;
	s10 =	simm.s32 $0x10;
	[sflag:s0] =	ssyncadd.s32 $0xFFFFEC00  }
0x195: {  	s23 =	simm.s32 $0x1400;
	s17 =	smov.u32 s29;
	_ =	swait.ge [sflag:s10], $0x28  }
0x196: {  	s29 =	simm.s32 $0xA100;
	s21 =	sadd.s32 $0x28, s21;
	[sflag:s10] =	ssyncset.done $0x0  }
0x197: {  	s9 =	simm.s32 @!p2 $0x17  }
0x198: {  	[sflag:s10] =	ssyncadd.s32 $0xFFFFFFD8;
	s2 =	simm.s32 $0xA380;
	s8 =	simm.s32 $0x8C00  }
0x199: {  	[spmem:s3] =	stream.indirect.scatter.add.f32 [tilespmem:s8], [sflag:$0x18], $0x80, s2, s25, $0xb8;
	[tilespmem:$0x1F480] =	vst v63  }
0x19a: {  	_ =	swait.ge @!p2 [sflag:s9], $0x1400  }
0x19b: {  	s11 =	sadd.s32 s1, s5;
	s15 =	rddreg [dreg:$0xc];
	[sflag:s9] =	ssyncset.done @!p2 $0x0  }
0x19c: {  	s16 =	sadd.s32 $0xF00, s11;
	s13 =	rddreg [dreg:$0xb];
	[sflag:s9] =	ssyncadd.s32 @!p2 $0xFFFFEC00  }
0x19d: {  	[tilespmem:s15], [sflag:$0x7] =	stream.linear.gather [hbm4b:s16+s4], $0x1400, $0x38;
	[tilespmem:$0x1F480] =	vst v63  }
0x19e: {  	s14 =	rddreg [dreg:$0xd];
	s13 =	sadd.s32 s21, s13  }
0x19f: {  	[tilespmem:s14], [sflag:$0xF] =	stream.linear.gather [hbm4b:s13+s4], $0x28, $0x38;
	[tilespmem:$0x1F480] =	vst v63  }
0x1a0: {  	_ =	swait.ge [sflag:s30], $0x1400  }
0x1a1: {  	[sflag:s30] =	ssyncset.done $0x0  }
0x1a2: {  	[sflag:s30] =	ssyncadd.s32 $0xFFFFEC00  }
0x1a3: {  	_ =	swait.ge [sflag:s31], $0x28  }
0x1a4: {  	[sflag:s31] =	ssyncset.done $0x0  }
0x1a5: {  	s9 =	simm.s32 @!p2 $0x18;
	[sflag:s31] =	ssyncadd.s32 $0xFFFFFFD8  }
0x1a6: {  	[spmem:s3] =	stream.indirect.scatter.add.f32 [tilespmem:s4], [sflag:$0x11], $0x80, s22, s25, $0xb8;
	[tilespmem:$0x1F480] =	vst v63  }
0x1a7: {  	_ =	swait.ge @!p2 [sflag:s9], $0x1400  }
0x1a8: {  	s2 =	simm.s32 $0x8C00;
	[sflag:s9] =	ssyncset.done @!p2 $0x0  }
0x1a9: {  	s16 =	sadd.s32 $0x1180, s11;
	s15 =	rddreg [dreg:$0xa];
	[sflag:s9] =	ssyncadd.s32 @!p2 $0xFFFFEC00  }
0x1aa: {  	[tilespmem:s2], [sflag:$0x8] =	stream.linear.gather [hbm4b:s16+s4], $0x1400, $0x38;
	[tilespmem:$0x1F480] =	vst v63  }
0x1ab: {  	s8 =	simm.s32 $0xA380;
	s2 =	sadd.s32 s21, s15  }
0x1ac: {  	[tilespmem:s8], [sflag:$0x10] =	stream.linear.gather [hbm4b:s2+s4], $0x28, $0x38;
	[tilespmem:$0x1F480] =	vst v63  }
0x1ad: {  	s2 =	simm.s32 $0x2  }
0x1ae: {  	_ =	swait.ge [sflag:s2], $0x1400  }
0x1af: {  	[sflag:s2] =	ssyncset.done $0x0  }
0x1b0: {  	s10 =	simm.s32 $0xA;
	[sflag:s2] =	ssyncadd.s32 $0xFFFFEC00  }
0x1b1: {  	_ =	swait.ge [sflag:s10], $0x28  }
0x1b2: {  	[sflag:s10] =	ssyncset.done $0x0  }
0x1b3: {  	s13 =	simm.s32 $0x11;
	[sflag:s10] =	ssyncadd.s32 $0xFFFFFFD8  }
0x1b4: {  	[spmem:s3] =	stream.indirect.scatter.add.f32 [tilespmem:s23], [sflag:$0x12], $0x80, s26, s25, $0xb8;
	[tilespmem:$0x1F480] =	vst v63  }
0x1b5: {  	_ =	swait.ge [sflag:s13], $0x1400  }
0x1b6: {  	[sflag:s13] =	ssyncset.done $0x0  }
0x1b7: {  	s14 =	sadd.s32 $0x1400, s11;
	s15 =	sshrl.u32 s12, $0x3;
	[sflag:s13] =	ssyncadd.s32 $0xFFFFEC00  }
0x1b8: {  	[tilespmem:s4], [sflag:$0x1] =	stream.linear.gather [hbm4b:s14+s4], $0x1400, $0x38;
	[tilespmem:$0x1F480] =	vst v63  }
0x1b9: {  	s16 =	sadd.s32 s17, s15  }
0x1ba: {  	[tilespmem:s22], [sflag:$0x9] =	stream.linear.gather [hbm4b:s16+s4], $0x28, $0x38;
	[tilespmem:$0x1F480] =	vst v63  }
0x1bb: {  	_ =	swait.ge [sflag:s6], $0x1400  }
0x1bc: {  	[sflag:s6] =	ssyncset.done $0x0  }
0x1bd: {  	[sflag:s6] =	ssyncadd.s32 $0xFFFFEC00  }
0x1be: {  	_ =	swait.ge [sflag:s7], $0x28  }
0x1bf: {  	[sflag:s7] =	ssyncset.done $0x0  }
0x1c0: {  	s6 =	simm.s32 $0x12;
	[sflag:s7] =	ssyncadd.s32 $0xFFFFFFD8  }
0x1c1: {  	[spmem:s3] =	stream.indirect.scatter.add.f32 [tilespmem:s28], [sflag:$0x13], $0x80, s29, s25, $0xb8;
	[tilespmem:$0x1F480] =	vst v63  }
0x1c2: {  	_ =	swait.ge [sflag:s6], $0x1400  }
0x1c3: {  	[sflag:s6] =	ssyncset.done $0x0  }
0x1c4: {  	s12 =	sadd.s32 $0x1680, s11;
	s8 =	rddreg [dreg:$0x5];
	[sflag:s6] =	ssyncadd.s32 $0xFFFFEC00  }
0x1c5: {  	[tilespmem:s23], [sflag:$0x2] =	stream.linear.gather [hbm4b:s12+s4], $0x1400, $0x38;
	[tilespmem:$0x1F480] =	vst v63  }
0x1c6: {  	s9 =	sadd.s32 s21, s8  }
0x1c7: {  	[tilespmem:s26], [sflag:$0xA] =	stream.linear.gather [hbm4b:s9+s4], $0x28, $0x38;
	[tilespmem:$0x1F480] =	vst v63  }
0x1c8: {  	_ =	swait.ge [sflag:s24], $0x1400  }
0x1c9: {  	[sflag:s24] =	ssyncset.done $0x0  }
0x1ca: {  	[sflag:s24] =	ssyncadd.s32 $0xFFFFEC00  }
0x1cb: {  	_ =	swait.ge [sflag:s19], $0x28  }
0x1cc: {  	p2 =	seq.s32 s1, $0x25800;
	s13 =	simm.s32 $0x3C00;
	[sflag:s19] =	ssyncset.done $0x0  }
0x1cd: {  	s14 =	simm.s32 $0xA180;
	s9 =	simm.s32 @p2 $0x5;
	[sflag:s19] =	ssyncadd.s32 $0xFFFFFFD8  }
0x1ce: {  	[spmem:s3] =	stream.indirect.scatter.add.f32 [tilespmem:s13], [sflag:$0x14], $0x80, s14, s25, $0xb8;
	[tilespmem:$0x1F480] =	vst v63  }
0x1cf: {  	_ =	swait.ge @p2 [sflag:s9], $0x1400  }
0x1d0: {  	[sflag:s9] =	ssyncset.done @p2 $0x0  }
0x1d1: {  	s10 =	simm.s32 @p2 $0xD;
	[sflag:s9] =	ssyncadd.s32 @p2 $0xFFFFEC00  }
0x1d2: {  	_ =	swait.ge @p2 [sflag:s10], $0x28  }
0x1d3: {  	s11 =	simm.s32 @p2 $0x28;
	s12 =	simm.s32 @p2 $0xA200;
	[sflag:s10] =	ssyncset.done @p2 $0x0  }
0x1d4: {  	s9 =	simm.s32 @p2 $0x5000;
	[sflag:s10] =	ssyncadd.s32 @p2 $0xFFFFFFD8;
	s10 =	simm.s32 @!p2 $0x13  }
0x1d5: {  	[spmem:s3] =	stream.indirect.scatter.add.f32 @p2 [tilespmem:s9], [sflag:$0x15], $0x80, s12, s11, $0xb8;
	[tilespmem:$0x1F480] =	vst v63  }
0x1d6: {  	s1 =	sadd.s32 @!p2 s1, s5;
	_ =	swait.ge @!p2 [sflag:s10], $0x1400  }
0x1d7: {  	s14 =	simm.s32 @!p2 $0x2800;
	s12 =	sadd.s32 @!p2 $0x1900, s1;
	[sflag:s10] =	ssyncset.done @!p2 $0x0  }
0x1d8: {  	s9 =	simm.s32 @!p2 $0x0;
	s13 =	rddreg [dreg:$0x6];
	[sflag:s10] =	ssyncadd.s32 @!p2 $0xFFFFEC00  }
0x1d9: {  	[tilespmem:s14], [sflag:$0x3] =	stream.linear.gather @!p2 [hbm4b:s12+s9], $0x1400, $0x38;
	[tilespmem:$0x1F480] =	vst v63  }
0x1da: {  	s10 =	simm.s32 @!p2 $0xA100;
	s12 =	sadd.s32 @!p2 s21, s13;
	s13 =	simm.s32 @!p2 $0x5  }
0x1db: {  	[tilespmem:s10], [sflag:$0xB] =	stream.linear.gather @!p2 [hbm4b:s12+s9], $0x28, $0x38;
	[tilespmem:$0x1F480] =	vst v63  }
0x1dc: {  	_ =	swait.ge @!p2 [sflag:s13], $0x1400  }
0x1dd: {  	[sflag:s13] =	ssyncset.done @!p2 $0x0  }
0x1de: {  	s10 =	simm.s32 @!p2 $0xD;
	[sflag:s13] =	ssyncadd.s32 @!p2 $0xFFFFEC00  }
0x1df: {  	_ =	swait.ge @!p2 [sflag:s10], $0x28  }
0x1e0: {  	s14 =	simm.s32 @!p2 $0xA200;
	s12 =	simm.s32 @!p2 $0x5000;
	[sflag:s10] =	ssyncset.done @!p2 $0x0  }
0x1e1: {  	s13 =	simm.s32 @!p2 $0x28;
	[sflag:s10] =	ssyncadd.s32 @!p2 $0xFFFFFFD8;
	s10 =	simm.s32 @!p2 $0x14  }
0x1e2: {  	[spmem:s3] =	stream.indirect.scatter.add.f32 @!p2 [tilespmem:s12], [sflag:$0x15], $0x80, s14, s13, $0xb8;
	[tilespmem:$0x1F480] =	vst v63  }
0x1e3: {  	_ =	swait.ge @!p2 [sflag:s10], $0x1400  }
0x1e4: {  	s16 =	sadd.s32 @!p2 $0x1B80, s1;
	[sflag:s10] =	ssyncset.done @!p2 $0x0  }
0x1e5: {  	s15 =	rddreg [dreg:$0x7];
	[sflag:s10] =	ssyncadd.s32 @!p2 $0xFFFFEC00;
	s10 =	simm.s32 @!p2 $0x3C00  }
0x1e6: {  	[tilespmem:s10], [sflag:$0x4] =	stream.linear.gather @!p2 [hbm4b:s16+s9], $0x1400, $0x38;
	[tilespmem:$0x1F480] =	vst v63  }
0x1e7: {  	s15 =	sadd.s32 @!p2 s21, s15;
	s10 =	simm.s32 @!p2 $0xA180  }
0x1e8: {  	[tilespmem:s10], [sflag:$0xC] =	stream.linear.gather @!p2 [hbm4b:s15+s9], $0x28, $0x38;
	[tilespmem:$0x1F480] =	vst v63  }
0x1e9: {  	_ =	swait.ge [sflag:s18], $0x1400  }
0x1ea: {  	[sflag:s18] =	ssyncset.done $0x0  }
0x1eb: {  	[sflag:s18] =	ssyncadd.s32 $0xFFFFEC00  }
0x1ec: {  	_ =	swait.ge [sflag:s20], $0x28  }
0x1ed: {  	s16 =	simm.s32 $0xA280;
	[sflag:s20] =	ssyncset.done $0x0  }
0x1ee: {  	s10 =	simm.s32 @p2 $0x7;
	s15 =	simm.s32 $0x6400;
	[sflag:s20] =	ssyncadd.s32 $0xFFFFFFD8  }
0x1ef: {  	[spmem:s3] =	stream.indirect.scatter.add.f32 [tilespmem:s15], [sflag:$0x16], $0x80, s16, s25, $0xb8;
	[tilespmem:$0x1F480] =	vst v63  }
0x1f0: {  	_ =	swait.ge @p2 [sflag:s10], $0x1400  }
0x1f1: {  	[sflag:s10] =	ssyncset.done @p2 $0x0  }
0x1f2: {  	s15 =	simm.s32 @p2 $0xF;
	[sflag:s10] =	ssyncadd.s32 @p2 $0xFFFFEC00  }
0x1f3: {  	_ =	swait.ge @p2 [sflag:s15], $0x28  }
0x1f4: {  	[sflag:s15] =	ssyncset.done @p2 $0x0  }
0x1f5: {  	s10 =	simm.s32 @p2 $0xA300;
	[sflag:s15] =	ssyncadd.s32 @p2 $0xFFFFFFD8;
	s15 =	simm.s32 @p2 $0x7800  }
0x1f6: {  	[spmem:s3] =	stream.indirect.scatter.add.f32 @p2 [tilespmem:s15], [sflag:$0x17], $0x80, s10, s11, $0xb8;
	[tilespmem:$0x1F480] =	vst v63  }
0x1f7: {  	s10 =	simm.s32 @!p2 $0x15  }
0x1f8: {  	_ =	swait.ge @!p2 [sflag:s10], $0x1400  }
0x1f9: {  	[sflag:s10] =	ssyncset.done @!p2 $0x0  }
0x1fa: {  	s11 =	rddreg [dreg:$0x8];
	[sflag:s10] =	ssyncadd.s32 @!p2 $0xFFFFEC00;
	s10 =	sadd.s32 @!p2 $0x1E00, s1  }
0x1fb: {  	[tilespmem:s12], [sflag:$0x5] =	stream.linear.gather @!p2 [hbm4b:s10+s9], $0x1400, $0x38;
	[tilespmem:$0x1F480] =	vst v63  }
0x1fc: {  	s10 =	sadd.s32 @!p2 s21, s11  }
0x1fd: {  	[tilespmem:s14], [sflag:$0xD] =	stream.linear.gather @!p2 [hbm4b:s10+s9], $0x28, $0x38;
	[tilespmem:$0x1F480] =	vst v63  }
0x1fe: {  	s10 =	simm.s32 @!p2 $0x7  }
0x1ff: {  	_ =	swait.ge @!p2 [sflag:s10], $0x1400  }
0x200: {  	[sflag:s10] =	ssyncset.done @!p2 $0x0  }
0x201: {  	s11 =	simm.s32 @!p2 $0xF;
	[sflag:s10] =	ssyncadd.s32 @!p2 $0xFFFFEC00  }
0x202: {  	_ =	swait.ge @!p2 [sflag:s11], $0x28  }
0x203: {  	[sflag:s11] =	ssyncset.done @!p2 $0x0  }
0x204: {  	s10 =	simm.s32 @!p2 $0xA300;
	[sflag:s11] =	ssyncadd.s32 @!p2 $0xFFFFFFD8;
	s11 =	simm.s32 @!p2 $0x7800  }
0x205: {  	[spmem:s3] =	stream.indirect.scatter.add.f32 @!p2 [tilespmem:s11], [sflag:$0x17], $0x80, s10, s13, $0xb8;
	[tilespmem:$0x1F480] =	vst v63  }
0x206: {  	s10 =	simm.s32 @!p2 $0x16  }
0x207: {  	_ =	swait.ge @!p2 [sflag:s10], $0x1400  }
0x208: {  	s1 =	sadd.s32 @!p2 $0x2080, s1;
	[sflag:s10] =	ssyncset.done @!p2 $0x0  }
0x209: {  	s11 =	rddreg [dreg:$0x9];
	[sflag:s10] =	ssyncadd.s32 @!p2 $0xFFFFEC00;
	s10 =	simm.s32 @!p2 $0x6400  }
0x20a: {  	[tilespmem:s10], [sflag:$0x6] =	stream.linear.gather @!p2 [hbm4b:s1+s9], $0x1400, $0x38;
	[tilespmem:$0x1F480] =	vst v63  }
0x20b: {  	s1 =	sadd.s32 @!p2 s21, s11;
	s10 =	simm.s32 @!p2 $0xA280  }
0x20c: {  	[tilespmem:s10], [sflag:$0xE] =	stream.linear.gather @!p2 [hbm4b:s1+s9], $0x28, $0x38;
	[tilespmem:$0x1F480] =	vst v63  }
0x20d: {  	_ =	swait.ge [sflag:s0], $0x1400  }
0x20e: {  	[sflag:s0] =	ssyncset.done $0x0  }
0x20f: {  	s21 =	simm.s32 $0x10;
	[sflag:s0] =	ssyncadd.s32 $0xFFFFEC00  }
0x210: {  	_ =	swait.ge [sflag:s21], $0x28  }
0x211: {  	[sflag:s21] =	ssyncset.done $0x0  }
0x212: {  	s7 =	simm.s32 $0xA380;
	s1 =	simm.s32 $0x8C00;
	[sflag:s21] =	ssyncadd.s32 $0xFFFFFFD8  }
0x213: {  	[spmem:s3] =	stream.indirect.scatter.add.f32 [tilespmem:s1], [sflag:$0x18], $0x80, s7, s25, $0xb8;
	[tilespmem:$0x1F480] =	vst v63  }
0x214: {  	_ =	swait.ge [sflag:s30], $0x1400  }
0x215: {  	[sflag:s30] =	ssyncset.done $0x0  }
0x216: {  	[sflag:s30] =	ssyncadd.s32 $0xFFFFEC00  }
0x217: {  	_ =	swait.ge [sflag:s31], $0x28  }
0x218: {  	[sflag:s31] =	ssyncset.done $0x0  }
0x219: {  	[sflag:s31] =	ssyncadd.s32 $0xFFFFFFD8  }
0x21a: {  	[spmem:s3] =	stream.indirect.scatter.add.f32 [tilespmem:s4], [sflag:$0x11], $0x80, s22, s25, $0xb8;
	[tilespmem:$0x1F480] =	vst v63  }
0x21b: {  	_ =	swait.ge [sflag:s2], $0x1400  }
0x21c: {  	[sflag:s2] =	ssyncset.done $0x0  }
0x21d: {  	s8 =	simm.s32 $0xA;
	[sflag:s2] =	ssyncadd.s32 $0xFFFFEC00  }
0x21e: {  	_ =	swait.ge [sflag:s8], $0x28  }
0x21f: {  	[sflag:s8] =	ssyncset.done $0x0  }
0x220: {  	s9 =	simm.s32 $0x11;
	[sflag:s8] =	ssyncadd.s32 $0xFFFFFFD8  }
0x221: {  	[spmem:s3] =	stream.indirect.scatter.add.f32 [tilespmem:s23], [sflag:$0x12], $0x80, s26, s25, $0xb8;
	[tilespmem:$0x1F480] =	vst v63  }
0x222: {  	_ =	swait.ge [sflag:s9], $0x1400  }
0x223: {  	[sflag:s9] =	ssyncset.done $0x0  }
0x224: {  	[sflag:s9] =	ssyncadd.s32 $0xFFFFEC00  }
0x225: {  	_ =	swait.ge [sflag:s6], $0x1400  }
0x226: {  	[sflag:s6] =	ssyncset.done $0x0  }
0x227: {  	s10 =	simm.s32 $0x13;
	[sflag:s6] =	ssyncadd.s32 $0xFFFFEC00  }
0x228: {  	_ =	swait.ge [sflag:s10], $0x1400  }
0x229: {  	[sflag:s10] =	ssyncset.done $0x0  }
0x22a: {  	s11 =	simm.s32 $0x14;
	[sflag:s10] =	ssyncadd.s32 $0xFFFFEC00  }
0x22b: {  	_ =	swait.ge [sflag:s11], $0x1400  }
0x22c: {  	[sflag:s11] =	ssyncset.done $0x0  }
0x22d: {  	s12 =	simm.s32 $0x15;
	[sflag:s11] =	ssyncadd.s32 $0xFFFFEC00  }
0x22e: {  	_ =	swait.ge [sflag:s12], $0x1400  }
0x22f: {  	[sflag:s12] =	ssyncset.done $0x0  }
0x230: {  	s13 =	simm.s32 $0x16;
	[sflag:s12] =	ssyncadd.s32 $0xFFFFEC00  }
0x231: {  	_ =	swait.ge [sflag:s13], $0x1400  }
0x232: {  	[sflag:s13] =	ssyncset.done $0x0  }
0x233: {  	s14 =	simm.s32 $0x17;
	[sflag:s13] =	ssyncadd.s32 $0xFFFFEC00  }
0x234: {  	_ =	swait.ge [sflag:s14], $0x1400  }
0x235: {  	[sflag:s14] =	ssyncset.done $0x0  }
0x236: {  	s15 =	simm.s32 $0x18;
	[sflag:s14] =	ssyncadd.s32 $0xFFFFEC00  }
0x237: {  	_ =	swait.ge [sflag:s15], $0x1400  }
0x238: {  	[sflag:s15] =	ssyncset.done $0x0  }
0x239: {  	[sflag:s15] =	ssyncadd.s32 $0xFFFFEC00  }
0x23a: {  	[bflag:$0x0] =	sbarrier.arrive $0xFFFF  }
0x23b: {  	s10 =	sld [smem:$0x7F2];
	_ =	sdelay $0x1  }
0x23c: {  	s1 =	simm.s32 @p0 $0x1FD9;
	s9 =	rddreg [dreg:$0x1d]  }
0x23d: {  	[hbm:s9], [sflag:s1] =	dma.local @p0 [spmem:s10], $0x2800  }
0x23e: {  	s1 =	simm.s32 @p0 $0x19  }
0x23f: {  	_ =	swait.ge @p0 [sflag:s1], $0x2800  }
0x240: {  	s9 =	stileid.u32;
	s11 =	rddreg [dreg:$0x1c]  }
0x241: {  	s9 =	sshll.u32 @!p0 s9, $0x6;
	[sflag:s1] =	ssyncset.done @p0 $0x0;
	s10 =	rddreg [dreg:$0x1a]  }
0x242: {  	[sflag:s1] =	ssyncadd.s32 @p0 $0xFFFFD800;
	s1 =	sor.u32 @!p0 $0x1C19, s9;
	s9 =	sshrl.u32 @!p0 s11, $0x3  }
0x243: {  	[hbm:s10], [sflag:s1] =	dma.local @!p0 [spmem:s9], $0x2700  }
0x244: {  	s1 =	simm.s32 @!p0 $0x19  }
0x245: {  	_ =	swait.ge @!p0 [sflag:s1], $0x2700  }
0x246: {  	s16 =	sld [smem:$0x7F0];
	_ =	sdelay $0x2  }
0x247: {  	s21 =	rddreg [dreg:$0x1e];
	s8 =	sadd.s32 $0x1, s16  }
0x248: {  	p2 =	sne.s32 s8, s21  }
.Ltmp2:
0x249: {  	s0 =	simm.s32 $0xA;
	(pc) =	sbr.rel @p2 .LBB2_1-.Ltmp2, $4  }
0x24a: {  	s7 =	smov.u32 s5;
	s2 =	simm.s32 $0x2;
	s6 =	simm.s32 $0x11  }
0x24b: {  	s12 =	simm.s32 $0xA280;
	s13 =	simm.s32 $0x3C00;
	s14 =	simm.s32 $0xA180  }
0x24c: {  	s15 =	simm.s32 $0x1;
	s10 =	simm.s32 $0x6400;
	[sflag:s1] =	ssyncset.done @!p0 $0x0  }
0x24d: {  	[sflag:s1] =	ssyncadd.s32 @!p0 $0xFFFFD900;
	s16 =	simm.s32 $0x9;
	s21 =	simm.s32 $0x8C00  }
0x24e: {  	_ =	sfence.sel $0x180000  }
0x24f: {  	[bflag:$0x0] =	sbarrier.arrive $0xFFFF  }
0x250: {  	_ =	strace $0x90000047  }
0x251: {  	s0 =	stileid.u32;
	[bflag:$0x2] =	sbarrier.arrive $0xFFFF  }
0x252: {  	p0 =	sne.s32 s0, $0x0;
	s0 =	rddreg [dreg:$0x4]  }
0x253: {  	s0 =	sadd.s32 @!p0 $0x100000, s0  }
0x254: {  	[sflag:s0] =	ssyncadd.tile.s32 @!p0 $0x1;
	_ =	shalt  }
.Lfunc_end2:
_tile_overlayer_lowered:
.L_overlay_start_2:
0x255: {  	(tag) =	ssettag $0x2  }
0x256: {  	s0 =	rddreg [dreg:$0x0];
	s2 =	stileid.u32  }
0x257: {  	s1 =	rddreg [dreg:$0x1];
	p0 =	sne.s32 s2, $0x0  }
0x258: {  	s3 =	rddreg [dreg:$0x2];
	[bflag:$0x3] =	sbarrier.arrive $0xFFFF;
	s2 =	simm.s32 @!p0 $0x1C19  }
0x259: {  	[timem:s3], [sflag:s2] =	dma.local @!p0 [hbm:s0], s1  }
0x25a: {  	s0 =	simm.s32 @!p0 $0x19  }
0x25b: {  	_ =	swait.ge @!p0 [sflag:s0], s1  }
0x25c: {  	s1 =	ssub.s32 @!p0 $0x0, s1;
	[sflag:s0] =	ssyncset.done @!p0 $0x0  }
0x25d: {  	[sflag:s0] =	ssyncadd.s32 @!p0 s1  }
0x25e: {  	[bflag:$0x3] =	sbarrier.arrive $0xFFFF  }
0x25f: {  	_ =	shalt  }

</sc_bundles>
